<compile_context>
chip_gen: v7x
topology: tpu7x:2x2x1
jax: 0.10.2.dev20260603
libtpu: 0.0.44.dev20260713+nightly
codegen_flags: <defaults>
</compile_context>

<pallas_src>
import functools

import jax
import jax.numpy as jnp
from jax import lax
from jax.experimental import pallas as pl
from jax.experimental.pallas import tpu as pltpu
from jax.experimental.pallas import tpu_sc as plsc

F32 = jnp.float32
EPS = 1e-5
NC = 2
NS = 16
CHUNK = 128
ZROWS = 64
PK = 4



def _stats_kernel(x_ref, o_ref, acc):
    i = pl.program_id(0)
    nb = pl.num_programs(0)
    xb = x_ref[...]
    upd = jnp.concatenate(
        [jnp.sum(xb, axis=0, keepdims=True),
         jnp.sum(xb * xb, axis=0, keepdims=True)], axis=0)
    acc[...] = jnp.where(i == 0, upd, acc[...] + upd)

    @pl.when(i == nb - 1)
    def _():
        o_ref[...] = acc[...]


def _h1_kernel(x4_ref, a_ref, b_ref, w1_ref, b1_ref, lim_ref, h1_ref, s_ref,
               acc, *, br):
    i = pl.program_id(0)
    nb = pl.num_programs(0)
    h1 = b1_ref[...]
    for q in range(PK):
        xq = jnp.maximum(x4_ref[q, :, :] * a_ref[...] + b_ref[...], 0.0)
        h1 = h1 + jnp.dot(xq, w1_ref[q, :, :], preferred_element_type=F32)
    row = i * br + lax.broadcasted_iota(jnp.int32, h1.shape, 0)
    h1 = jnp.where(row < lim_ref[...], h1, 0.0)
    h1_ref[...] = h1
    upd = jnp.concatenate(
        [jnp.sum(h1, axis=0, keepdims=True),
         jnp.sum(h1 * h1, axis=0, keepdims=True)], axis=0)
    acc[...] = jnp.where(i == 0, upd, acc[...] + upd)

    @pl.when(i == nb - 1)
    def _():
        s_ref[...] = acc[...]


def _proj_kernel(h1_ref, a_ref, b_ref, w2_ref, p_ref, *, kk):
    h = jnp.maximum(h1_ref[...] * a_ref[...] + b_ref[...], 0.0)
    for k in range(kk):
        p_ref[k, :, :] = jnp.dot(h, w2_ref[k, :, :], preferred_element_type=F32)


def _stats2_kernel(pp_ref, o_ref, acc):
    i = pl.program_id(0)
    nb = pl.num_programs(0)
    s = pp_ref[0, :, :] + pp_ref[1, :, :]
    upd = jnp.concatenate(
        [jnp.sum(s, axis=0, keepdims=True),
         jnp.sum(s * s, axis=0, keepdims=True)], axis=0)
    acc[...] = jnp.where(i == 0, upd, acc[...] + upd)

    @pl.when(i == nb - 1)
    def _():
        o_ref[...] = acc[...]


def _final_kernel(pp_ref, x4_ref, a3_ref, b3f_ref, w3_ref, bias3_ref,
                  ax_ref, bx_ref, y4_ref):
    s = pp_ref[0, :, :] + pp_ref[1, :, :]
    h3 = jnp.maximum(s * a3_ref[...] + b3f_ref[...], 0.0)
    ycat = jnp.dot(h3, w3_ref[...], preferred_element_type=F32)
    for q in range(PK):
        shortcut = jnp.maximum(x4_ref[q, :, :] * ax_ref[...] + bx_ref[...],
                               0.0)
        y4_ref[q, :, :] = (ycat[:, q * 128:(q + 1) * 128] + bias3_ref[...]
                           + shortcut)



def _sc_body(p_hbm, g_hbm, o_hbm, out_hbm, gix, oix, rows0, rows1, zbuf, acc,
             sem0, sem1, *, ch, acc_rows, n_pad, mid):
    c = lax.axis_index("c")
    s = lax.axis_index("s")

    def zrow(i, carry):
        for j in range(mid // 16):
            zbuf[i, pl.ds(j * 16, 16)] = jnp.zeros((16,), F32)
        return carry
    lax.fori_loop(0, ZROWS, zrow, 0)

    zps = acc_rows // NS
    def zcopy(r, carry):
        pltpu.sync_copy(zbuf, acc.at[pl.ds(s * zps + r * ZROWS, ZROWS)])
        return carry
    lax.fori_loop(0, zps // ZROWS, zcopy, 0)

    pltpu.sync_copy(g_hbm.at[c, s], gix)
    pltpu.sync_copy(o_hbm.at[c, s], oix)
    plsc.subcore_barrier()

    pltpu.async_copy(p_hbm.at[gix.at[0]], rows0, sem0)
    pltpu.async_copy(p_hbm.at[gix.at[1]], rows1, sem1)

    def body(t, carry):
        j = 2 * t
        pltpu.make_async_copy(p_hbm.at[gix.at[j]], rows0, sem0).wait()
        pltpu.sync_copy(rows0, acc.at[oix.at[j]], add=True)

        @pl.when(j + 2 < ch)
        def _():
            pltpu.async_copy(p_hbm.at[gix.at[j + 2]], rows0, sem0)

        pltpu.make_async_copy(p_hbm.at[gix.at[j + 1]], rows1, sem1).wait()
        pltpu.sync_copy(rows1, acc.at[oix.at[j + 1]], add=True)

        @pl.when(j + 3 < ch)
        def _():
            pltpu.async_copy(p_hbm.at[gix.at[j + 3]], rows1, sem1)
        return carry
    lax.fori_loop(0, ch // 2, body, 0)
    plsc.subcore_barrier()

    rps = n_pad // NS
    pltpu.sync_copy(acc.at[pl.ds(s * rps, rps)],
                    out_hbm.at[c, pl.ds(s * rps, rps)])



def kernel(x_feats, gamma_pre, beta_pre, W1, b1, gamma2, beta2, W2, b2,
           gamma3, beta3, W3, b3, edge_in, edge_out, cu_kernel):
    n, cin = x_feats.shape
    mid = W1.shape[1]
    cout = W3.shape[1]
    kk = W2.shape[0]
    e_total = edge_in.shape[0]
    brp = 3128
    nqp = -(-(n // PK) // brp) * brp
    n_pad = nqp * PK
    eye4 = jnp.eye(PK, dtype=F32)

    n_pad16 = -(-n_pad // (NS * 8)) * NS * 8
    acc_rows = (n_pad16 // (NS * ZROWS) + 1) * NS * ZROWS
    cu = cu_kernel.astype(jnp.int32)
    pos = jnp.arange(e_total, dtype=jnp.int32)
    seg = jnp.zeros((e_total,), jnp.int32)
    for k in range(1, kk):
        seg = seg + (pos >= cu[k]).astype(jnp.int32)
    ein = edge_in.astype(jnp.int32)
    eout = edge_out.astype(jnp.int32)
    pin = PK * (ein % nqp) + ein // nqp
    pout = PK * (eout % nqp) + eout // nqp
    gidx = pin + seg * n_pad

    nw = NC * NS
    ch = -(-e_total // (nw * CHUNK))
    ch += ch % 2
    ep = nw * ch * CHUNK
    pad = ep - e_total
    padi = jnp.arange(pad, dtype=jnp.int32)
    gidx = jnp.concatenate([gidx, padi % jnp.int32(n)])
    oidx = jnp.concatenate([pout, n_pad + padi % jnp.int32(acc_rows - n_pad)])
    g4 = gidx.reshape(NC, NS, ch, CHUNK)
    o4 = oidx.reshape(NC, NS, ch, CHUNK)

    x_pad = jnp.pad(x_feats, ((0, n_pad - n), (0, 0)))
    x4 = x_pad.reshape(PK, nqp, cin)

    brx = 3128
    nbx = n_pad // brx
    sums_x = pl.pallas_call(
        _stats_kernel, grid=(nbx,),
        in_specs=[pl.BlockSpec((brx, cin), lambda i: (i, 0))],
        out_specs=pl.BlockSpec((2, cin), lambda i: (0, 0)),
        out_shape=jax.ShapeDtypeStruct((2, cin), F32),
        scratch_shapes=[pltpu.VMEM((2, cin), F32)],
    )(x_pad)
    mx = sums_x[0] / n
    ax = gamma_pre / jnp.sqrt(sums_x[1] / n - mx * mx + EPS)
    bx = beta_pre - mx * ax
    ax2, bx2 = ax.reshape(1, cin), bx.reshape(1, cin)

    br1 = brp
    nb1 = nqp // br1
    lims = tuple(min(nqp, max(0, n - u * nqp)) for u in range(PK))
    limvec = jnp.repeat(jnp.array(lims, jnp.int32), mid).reshape(1, PK * mid)
    w1bd = (W1[None, :, None, :] * eye4[:, None, :, None]).reshape(
        PK, cin, PK * mid)
    h1p, sums_h1c = pl.pallas_call(
        functools.partial(_h1_kernel, br=br1),
        grid=(nb1,),
        in_specs=[pl.BlockSpec((PK, br1, cin), lambda i: (0, i, 0)),
                  pl.BlockSpec((1, cin), lambda i: (0, 0)),
                  pl.BlockSpec((1, cin), lambda i: (0, 0)),
                  pl.BlockSpec((PK, cin, PK * mid), lambda i: (0, 0, 0)),
                  pl.BlockSpec((1, PK * mid), lambda i: (0, 0)),
                  pl.BlockSpec((1, PK * mid), lambda i: (0, 0))],
        out_specs=[pl.BlockSpec((br1, PK * mid), lambda i: (i, 0)),
                   pl.BlockSpec((2, PK * mid), lambda i: (0, 0))],
        out_shape=[jax.ShapeDtypeStruct((nqp, PK * mid), F32),
                   jax.ShapeDtypeStruct((2, PK * mid), F32)],
        scratch_shapes=[pltpu.VMEM((2, PK * mid), F32)],
    )(x4, ax2, bx2, w1bd, jnp.tile(b1, PK).reshape(1, PK * mid), limvec)
    sums_h1 = sums_h1c.reshape(2, PK, mid).sum(axis=1)
    m2 = sums_h1[0] / n
    a2 = gamma2 / jnp.sqrt(sums_h1[1] / n - m2 * m2 + EPS)
    b2f = beta2 - m2 * a2

    br2 = brp
    nb2 = nqp // br2
    w2bd = W2[:, None, :, None, :] * eye4[None, :, None, :, None]
    w2bd = w2bd.reshape(kk, PK * mid, PK * mid)
    proj = pl.pallas_call(
        functools.partial(_proj_kernel, kk=kk), grid=(nb2,),
        in_specs=[pl.BlockSpec((br2, PK * mid), lambda i: (i, 0)),
                  pl.BlockSpec((1, PK * mid), lambda i: (0, 0)),
                  pl.BlockSpec((1, PK * mid), lambda i: (0, 0)),
                  pl.BlockSpec((kk, PK * mid, PK * mid),
                               lambda i: (0, 0, 0))],
        out_specs=pl.BlockSpec((kk, br2, PK * mid), lambda i: (0, i, 0)),
        out_shape=jax.ShapeDtypeStruct((kk, nqp, PK * mid), F32),
    )(h1p, jnp.tile(a2, PK).reshape(1, PK * mid),
      jnp.tile(b2f, PK).reshape(1, PK * mid), w2bd)
    p_flat = proj.reshape(kk * n_pad, mid)

    mesh = plsc.VectorSubcoreMesh(core_axis_name="c", subcore_axis_name="s",
                                  num_cores=NC, num_subcores=NS)
    sc_fn = pl.kernel(
        functools.partial(_sc_body, ch=ch, acc_rows=acc_rows, n_pad=n_pad,
                          mid=mid),
        out_type=jax.ShapeDtypeStruct((NC, n_pad, mid), F32),
        mesh=mesh,
        compiler_params=pltpu.CompilerParams(use_tc_tiling_on_sc=False),
        scratch_types=[
            pltpu.VMEM((ch, CHUNK), jnp.int32),
            pltpu.VMEM((ch, CHUNK), jnp.int32),
            pltpu.VMEM((CHUNK, mid), F32),
            pltpu.VMEM((CHUNK, mid), F32),
            pltpu.VMEM((ZROWS, mid), F32),
            pltpu.VMEM_SHARED((acc_rows, mid), F32),
            pltpu.SemaphoreType.DMA,
            pltpu.SemaphoreType.DMA,
        ],
    )
    partials = sc_fn(p_flat, g4, o4).reshape(NC, nqp, PK * mid)

    sums_oc = pl.pallas_call(
        _stats2_kernel, grid=(nb2,),
        in_specs=[pl.BlockSpec((NC, br2, PK * mid), lambda i: (0, i, 0))],
        out_specs=pl.BlockSpec((2, PK * mid), lambda i: (0, 0)),
        out_shape=jax.ShapeDtypeStruct((2, PK * mid), F32),
        scratch_shapes=[pltpu.VMEM((2, PK * mid), F32)],
    )(partials)
    sums_o = sums_oc.reshape(2, PK, mid).sum(axis=1)
    m3 = sums_o[0] / n
    a3 = gamma3 / jnp.sqrt(sums_o[1] / n - m3 * m3 + EPS)
    b3f = beta3 - m3 * a3

    w3k = (eye4[:, None, :, None] * W3[None, :, None, :]).reshape(
        PK * mid, PK * cout)
    brf = brp
    nbf = nqp // brf
    y4 = pl.pallas_call(
        _final_kernel, grid=(nbf,),
        in_specs=[pl.BlockSpec((NC, brf, PK * mid), lambda i: (0, i, 0)),
                  pl.BlockSpec((PK, brf, cin), lambda i: (0, i, 0)),
                  pl.BlockSpec((1, PK * mid), lambda i: (0, 0)),
                  pl.BlockSpec((1, PK * mid), lambda i: (0, 0)),
                  pl.BlockSpec((PK * mid, PK * cout), lambda i: (0, 0)),
                  pl.BlockSpec((1, cout), lambda i: (0, 0)),
                  pl.BlockSpec((1, cin), lambda i: (0, 0)),
                  pl.BlockSpec((1, cin), lambda i: (0, 0))],
        out_specs=pl.BlockSpec((PK, brf, cout), lambda i: (0, i, 0)),
        out_shape=jax.ShapeDtypeStruct((PK, nqp, cout), F32),
    )(partials, x4, jnp.tile(a3, PK).reshape(1, PK * mid),
      jnp.tile(b3f, PK).reshape(1, PK * mid), w3k, b3.reshape(1, cout),
      ax2, bx2)
    return y4.reshape(n_pad, cout)[:n]

# --- scband reference (transcript-rebuilt; emitter-appended) ---
"""Pipeline reference for scband-minkowski-sparse-bottleneck-v2-26972394619246 (READ-ONLY COPY).

The authoritative reference and input builder live on the scoring server;
editing this copy changes nothing except your own understanding.
"""

import jax, jax.numpy as jnp
import numpy as np

N_NODES = 50000
GRID = 300
IN_CHS = 128
OUT_CHS = 128
MID_CHS = 32


def _build_sparse_graph(n_nodes=N_NODES, grid=GRID, seed=0):
    # Emulates a 2D Minkowski sparse coordinate map + 3x3 stride-1 kernel maps.
    rng = np.random.default_rng(seed)
    flat = rng.choice(grid * grid, size=n_nodes, replace=False)
    coords = np.stack([flat // grid, flat % grid], axis=1).astype(np.int64)
    idx_of = np.full(grid * grid, -1, dtype=np.int64)
    idx_of[flat] = np.arange(n_nodes, dtype=np.int64)
    edge_in, edge_out, counts = [], [], []
    for dx in (-1, 0, 1):
        for dy in (-1, 0, 1):
            nb = coords + np.array([dx, dy], dtype=np.int64)
            valid = (nb[:, 0] >= 0) & (nb[:, 0] < grid) & (nb[:, 1] >= 0) & (nb[:, 1] < grid)
            nb_flat = np.clip(nb[:, 0] * grid + nb[:, 1], 0, grid * grid - 1)
            nb_idx = np.where(valid, idx_of[nb_flat], -1)
            mask = nb_idx >= 0
            edge_in.append(nb_idx[mask])
            edge_out.append(np.nonzero(mask)[0].astype(np.int64))
            counts.append(int(mask.sum()))
    cu = np.concatenate([[0], np.cumsum(counts)]).astype(np.int64)
    return coords, np.concatenate(edge_in), np.concatenate(edge_out), cu


def setup_inputs(seed: int = 0):
    key = jax.random.key(seed)
    ks = jax.random.split(key, 6)
    coords, ein, eout, cu = _build_sparse_graph()
    return {
        "x_feats": jax.random.normal(ks[0], (N_NODES, IN_CHS), dtype=jnp.float32),
        "gamma_pre": jnp.ones((IN_CHS,), jnp.float32),
        "beta_pre": jnp.zeros((IN_CHS,), jnp.float32),
        "W1": jax.random.normal(ks[1], (IN_CHS, MID_CHS), dtype=jnp.float32) * 0.05,
        "b1": jnp.zeros((MID_CHS,), jnp.float32),
        "gamma2": jnp.ones((MID_CHS,), jnp.float32),
        "beta2": jnp.zeros((MID_CHS,), jnp.float32),
        "W2": jax.random.normal(ks[2], (9, MID_CHS, MID_CHS), dtype=jnp.float32) * 0.05,
        "b2": jnp.zeros((MID_CHS,), jnp.float32),
        "gamma3": jnp.ones((MID_CHS,), jnp.float32),
        "beta3": jnp.zeros((MID_CHS,), jnp.float32),
        "W3": jax.random.normal(ks[3], (MID_CHS, OUT_CHS), dtype=jnp.float32) * 0.05,
        "b3": jnp.zeros((OUT_CHS,), jnp.float32),
        "edge_in": jnp.asarray(ein),
        "edge_out": jnp.asarray(eout),
        "cu_kernel": jnp.asarray(cu),
    }


def _bn(x, gamma, beta, eps=1e-5):
    # MinkowskiBatchNorm (training mode): normalize over all active sites.
    m = x.mean(axis=0)
    v = x.var(axis=0)
    return (x - m) / jnp.sqrt(v + eps) * gamma + beta


def reference(x_feats, gamma_pre, beta_pre, W1, b1, gamma2, beta2, W2, b2,
              gamma3, beta3, W3, b3, edge_in, edge_out, cu_kernel):
    n = x_feats.shape[0]
    # preact: BN + ReLU
    x_preact = jax.nn.relu(_bn(x_feats, gamma_pre, beta_pre))
    # in_chs == out_chs and stride == 1 -> downsample_shortcut is Identity
    shortcut = x_preact
    # conv1: 1x1 sparse conv == per-site linear
    h = x_preact @ W1 + b1
    # norm_act_conv_2: BN + ReLU + 3x3 sparse conv (gather-matmul-scatter per kernel offset)
    h = jax.nn.relu(_bn(h, gamma2, beta2))
    out2 = jnp.zeros((n, W2.shape[2]), dtype=h.dtype)
    pos = jnp.arange(edge_in.shape[0], dtype=cu_kernel.dtype)
    g = jnp.take(h, edge_in, axis=0)
    for k in range(9):
        seg = (pos >= cu_kernel[k]) & (pos < cu_kernel[k + 1])
        msg = (g @ W2[k]) * seg[:, None].astype(h.dtype)
        out2 = out2.at[edge_out].add(msg)
    out2 = out2 + b2
    # norm_act_conv_3: BN + ReLU + 1x1 sparse conv
    h = jax.nn.relu(_bn(out2, gamma3, beta3))
    h = h @ W3 + b3
    return h + shortcut

if __name__ == "__main__":
    import jax
    _d = setup_inputs()
    print(jax.jit(kernel)(*tuple(_d.values())))

</pallas_src>

<mosaic_0001>
#map = affine_map<(d0, d1) -> (0, 0)>
#map1 = affine_map<(d0, d1) -> (0, 0, 0, 0)>
#map2 = affine_map<(d0, d1) -> (0, 0, 0)>
module attributes {stable_mosaic.version = 14 : i64} {
  func.func @_sc_body(%arg0: i32, %arg1: i32, %arg2: memref<450432x32xf32, #tpu.memory_space<hbm>>, %arg3: memref<2x16x68x128xi32, #tpu.memory_space<hbm>>, %arg4: memref<2x16x68x128xi32, #tpu.memory_space<hbm>>, %arg5: memref<2x50048x32xf32, #tpu.memory_space<hbm>>, %arg6: memref<68x128xi32, #tpu.memory_space<vmem>>, %arg7: memref<68x128xi32, #tpu.memory_space<vmem>>, %arg8: memref<128x32xf32, #tpu.memory_space<vmem>>, %arg9: memref<128x32xf32, #tpu.memory_space<vmem>>, %arg10: memref<64x32xf32, #tpu.memory_space<vmem>>, %arg11: memref<50176x32xf32, #tpu.memory_space<vmem_shared>>, %arg12: memref<!tpu.dma_semaphore, #tpu.memory_space<semaphore_mem>>, %arg13: memref<!tpu.dma_semaphore, #tpu.memory_space<semaphore_mem>>) attributes {dimension_semantics = [#tpu.dimension_semantics<core_parallel>, #tpu.dimension_semantics<subcore_parallel>], iteration_bounds = array<i64: 2, 16>, scalar_prefetch = 0 : i64, scratch_operands = 8 : i64, tpu.core_type = #tpu.core_type<sc_vector_subcore>, window_params = [{transform_indices = #map}, {transform_indices = #map1}, {transform_indices = #map1}, {transform_indices = #map2}]} {
    %scan3A = arith.constant 0 : i32
    %scan3A_0 = arith.constant 0 : i32
    %scan3A_1 = arith.constant 64 : i32
    %scan3A_2 = arith.addi %scan3A_0, %scan3A_1 : i32
    %scan3A_3 = arith.constant 1 : i32
    scf.for %scan3A_34 = %scan3A_0 to %scan3A_2 step %scan3A_3  : i32 {
      %broadcast_in_dim3A = arith.constant 0.000000e+00 : f32
      %broadcast_in_dim3A_35 = vector.broadcast %broadcast_in_dim3A : f32 to vector<16xf32>
      %swap3A = arith.index_cast %scan3A_34 : i32 to index
      %swap3A_36 = arith.constant 0 : index
      %swap3A_37 = tpu.vector_load %arg10[%swap3A, %swap3A_36] {strides = array<i32>} : memref<64x32xf32, #tpu.memory_space<vmem>>, vector<1x16xf32>,
      %swap3A_38 = vector.shape_cast %swap3A_37 : vector<1x16xf32> to vector<16xf32>
      %swap3A_39 = vector.shape_cast %broadcast_in_dim3A_35 : vector<16xf32> to vector<1x16xf32>
      tpu.vector_store %arg10[%swap3A, %swap3A_36], %swap3A_39 {strides = array<i32>} : memref<64x32xf32, #tpu.memory_space<vmem>>, vector<1x16xf32>,
      %broadcast_in_dim3A_40 = arith.constant 0.000000e+00 : f32
      %broadcast_in_dim3A_41 = vector.broadcast %broadcast_in_dim3A_40 : f32 to vector<16xf32>
      %swap3A_42 = arith.index_cast %scan3A_34 : i32 to index
      %swap3A_43 = arith.constant 16 : index
      %swap3A_44 = tpu.vector_load %arg10[%swap3A_42, %swap3A_43] {strides = array<i32>} : memref<64x32xf32, #tpu.memory_space<vmem>>, vector<1x16xf32>,
      %swap3A_45 = vector.shape_cast %swap3A_44 : vector<1x16xf32> to vector<16xf32>
      %swap3A_46 = vector.shape_cast %broadcast_in_dim3A_41 : vector<16xf32> to vector<1x16xf32>
      tpu.vector_store %arg10[%swap3A_42, %swap3A_43], %swap3A_46 {strides = array<i32>} : memref<64x32xf32, #tpu.memory_space<vmem>>, vector<1x16xf32>,
    }
    %scan3A_4 = arith.constant 64 : i32
    %scan3A_5 = arith.constant 0 : i32
    %scan3A_6 = arith.constant 0 : i32
    %scan3A_7 = arith.constant 49 : i32
    %scan3A_8 = arith.addi %scan3A_6, %scan3A_7 : i32
    %scan3A_9 = arith.constant 1 : i32
    scf.for %scan3A_34 = %scan3A_6 to %scan3A_8 step %scan3A_9  : i32 {
      %mul3A_35 = arith.constant 3136 : i32
      %mul3A_36 = arith.muli %arg1, %mul3A_35 : i32
      %mul3A_37 = arith.constant 64 : i32
      %mul3A_38 = arith.muli %scan3A_34, %mul3A_37 : i32
      %add3A = arith.addi %mul3A_36, %mul3A_38 : i32
      "tpu.region"() ({
        %run_scoped3A = tpu.sem_alloc : memref<!tpu.dma_semaphore, #tpu.memory_space<semaphore_mem>>
        %dma_start3A_39 = arith.constant 0 : i32
        %dma_start3A_40 = tpu.memref_slice %arg11[%add3A, %dma_start3A_39] : memref<50176x32xf32, #tpu.memory_space<vmem_shared>> -> memref<64x32xf32, #tpu.memory_space<vmem_shared>>
        %dma_start3A_41 = arith.constant 0 : i32
        %dma_start3A_42 = tpu.memref_slice %arg11[%add3A, %dma_start3A_41] : memref<50176x32xf32, #tpu.memory_space<vmem_shared>> -> memref<64x32xf32, #tpu.memory_space<vmem_shared>>
        tpu.enqueue_dma source(%arg10 : memref<64x32xf32, #tpu.memory_space<vmem>>) target(%dma_start3A_42 : memref<64x32xf32, #tpu.memory_space<vmem_shared>>) target_semaphore(%run_scoped3A : memref<!tpu.dma_semaphore, #tpu.memory_space<semaphore_mem>>)
        %dma_wait3A = arith.constant 0 : i32
        %dma_wait3A_43 = tpu.memref_slice %arg11[%add3A, %dma_wait3A] : memref<50176x32xf32, #tpu.memory_space<vmem_shared>> -> memref<64x32xf32, #tpu.memory_space<vmem_shared>>
        %dma_wait3A_44 = arith.constant 0 : i32
        %dma_wait3A_45 = tpu.memref_slice %arg11[%add3A, %dma_wait3A_44] : memref<50176x32xf32, #tpu.memory_space<vmem_shared>> -> memref<64x32xf32, #tpu.memory_space<vmem_shared>>
        tpu.wait_dma2 semaphore(%run_scoped3A : memref<!tpu.dma_semaphore, #tpu.memory_space<semaphore_mem>>) src(%arg10 : memref<64x32xf32, #tpu.memory_space<vmem>>) dst(%dma_wait3A_45 : memref<64x32xf32, #tpu.memory_space<vmem_shared>>)
        tpu.yield
      }) : () -> ()
    }
    %scan3A_10 = arith.constant 49 : i32
    "tpu.region"() ({
      %run_scoped3A = tpu.sem_alloc : memref<!tpu.dma_semaphore, #tpu.memory_space<semaphore_mem>>
      %dma_start3A_34 = arith.constant 0 : i32
      %dma_start3A_35 = arith.constant 0 : i32
      %dma_start3A_36 = tpu.memref_slice %arg3[%arg0, %arg1, %dma_start3A_34, %dma_start3A_35] : memref<2x16x68x128xi32, #tpu.memory_space<hbm>> -> memref<1x1x68x128xi32, #tpu.memory_space<hbm>>
      %dma_start3A_37 = tpu.memref_squeeze %dma_start3A_36 : memref<1x1x68x128xi32, #tpu.memory_space<hbm>> -> memref<68x128xi32, #tpu.memory_space<hbm>>
      %dma_start3A_38 = arith.constant 0 : i32
      %dma_start3A_39 = arith.constant 0 : i32
      %dma_start3A_40 = tpu.memref_slice %arg3[%arg0, %arg1, %dma_start3A_38, %dma_start3A_39] : memref<2x16x68x128xi32, #tpu.memory_space<hbm>> -> memref<1x1x68x128xi32, #tpu.memory_space<hbm>>
      %dma_start3A_41 = tpu.memref_squeeze %dma_start3A_40 : memref<1x1x68x128xi32, #tpu.memory_space<hbm>> -> memref<68x128xi32, #tpu.memory_space<hbm>>
      tpu.enqueue_dma source(%dma_start3A_41 : memref<68x128xi32, #tpu.memory_space<hbm>>) target(%arg6 : memref<68x128xi32, #tpu.memory_space<vmem>>) target_semaphore(%run_scoped3A : memref<!tpu.dma_semaphore, #tpu.memory_space<semaphore_mem>>)
      %dma_wait3A = arith.constant 0 : i32
      %dma_wait3A_42 = arith.constant 0 : i32
      %dma_wait3A_43 = tpu.memref_slice %arg3[%arg0, %arg1, %dma_wait3A, %dma_wait3A_42] : memref<2x16x68x128xi32, #tpu.memory_space<hbm>> -> memref<1x1x68x128xi32, #tpu.memory_space<hbm>>
      %dma_wait3A_44 = tpu.memref_squeeze %dma_wait3A_43 : memref<1x1x68x128xi32, #tpu.memory_space<hbm>> -> memref<68x128xi32, #tpu.memory_space<hbm>>
      %dma_wait3A_45 = arith.constant 0 : i32
      %dma_wait3A_46 = arith.constant 0 : i32
      %dma_wait3A_47 = tpu.memref_slice %arg3[%arg0, %arg1, %dma_wait3A_45, %dma_wait3A_46] : memref<2x16x68x128xi32, #tpu.memory_space<hbm>> -> memref<1x1x68x128xi32, #tpu.memory_space<hbm>>
      %dma_wait3A_48 = tpu.memref_squeeze %dma_wait3A_47 : memref<1x1x68x128xi32, #tpu.memory_space<hbm>> -> memref<68x128xi32, #tpu.memory_space<hbm>>
      tpu.wait_dma2 semaphore(%run_scoped3A : memref<!tpu.dma_semaphore, #tpu.memory_space<semaphore_mem>>) src(%dma_wait3A_48 : memref<68x128xi32, #tpu.memory_space<hbm>>) dst(%arg6 : memref<68x128xi32, #tpu.memory_space<vmem>>)
      tpu.yield
    }) : () -> ()
    "tpu.region"() ({
      %run_scoped3A = tpu.sem_alloc : memref<!tpu.dma_semaphore, #tpu.memory_space<semaphore_mem>>
      %dma_start3A_34 = arith.constant 0 : i32
      %dma_start3A_35 = arith.constant 0 : i32
      %dma_start3A_36 = tpu.memref_slice %arg4[%arg0, %arg1, %dma_start3A_34, %dma_start3A_35] : memref<2x16x68x128xi32, #tpu.memory_space<hbm>> -> memref<1x1x68x128xi32, #tpu.memory_space<hbm>>
      %dma_start3A_37 = tpu.memref_squeeze %dma_start3A_36 : memref<1x1x68x128xi32, #tpu.memory_space<hbm>> -> memref<68x128xi32, #tpu.memory_space<hbm>>
      %dma_start3A_38 = arith.constant 0 : i32
      %dma_start3A_39 = arith.constant 0 : i32
      %dma_start3A_40 = tpu.memref_slice %arg4[%arg0, %arg1, %dma_start3A_38, %dma_start3A_39] : memref<2x16x68x128xi32, #tpu.memory_space<hbm>> -> memref<1x1x68x128xi32, #tpu.memory_space<hbm>>
      %dma_start3A_41 = tpu.memref_squeeze %dma_start3A_40 : memref<1x1x68x128xi32, #tpu.memory_space<hbm>> -> memref<68x128xi32, #tpu.memory_space<hbm>>
      tpu.enqueue_dma source(%dma_start3A_41 : memref<68x128xi32, #tpu.memory_space<hbm>>) target(%arg7 : memref<68x128xi32, #tpu.memory_space<vmem>>) target_semaphore(%run_scoped3A : memref<!tpu.dma_semaphore, #tpu.memory_space<semaphore_mem>>)
      %dma_wait3A = arith.constant 0 : i32
      %dma_wait3A_42 = arith.constant 0 : i32
      %dma_wait3A_43 = tpu.memref_slice %arg4[%arg0, %arg1, %dma_wait3A, %dma_wait3A_42] : memref<2x16x68x128xi32, #tpu.memory_space<hbm>> -> memref<1x1x68x128xi32, #tpu.memory_space<hbm>>
      %dma_wait3A_44 = tpu.memref_squeeze %dma_wait3A_43 : memref<1x1x68x128xi32, #tpu.memory_space<hbm>> -> memref<68x128xi32, #tpu.memory_space<hbm>>
      %dma_wait3A_45 = arith.constant 0 : i32
      %dma_wait3A_46 = arith.constant 0 : i32
      %dma_wait3A_47 = tpu.memref_slice %arg4[%arg0, %arg1, %dma_wait3A_45, %dma_wait3A_46] : memref<2x16x68x128xi32, #tpu.memory_space<hbm>> -> memref<1x1x68x128xi32, #tpu.memory_space<hbm>>
      %dma_wait3A_48 = tpu.memref_squeeze %dma_wait3A_47 : memref<1x1x68x128xi32, #tpu.memory_space<hbm>> -> memref<68x128xi32, #tpu.memory_space<hbm>>
      tpu.wait_dma2 semaphore(%run_scoped3A : memref<!tpu.dma_semaphore, #tpu.memory_space<semaphore_mem>>) src(%dma_wait3A_48 : memref<68x128xi32, #tpu.memory_space<hbm>>) dst(%arg7 : memref<68x128xi32, #tpu.memory_space<vmem>>)
      tpu.yield
    }) : () -> ()
    %barrier3A = arith.constant 0 : index
    tpu.barrier barrier_id(%barrier3A)
    %dma_start3A = arith.constant 0 : i32
    %dma_start3A_11 = arith.constant 0 : i32
    %dma_start3A_12 = tpu.memref_slice %arg6[%dma_start3A, %dma_start3A_11] : memref<68x128xi32, #tpu.memory_space<vmem>> -> memref<1x128xi32, #tpu.memory_space<vmem>>
    %dma_start3A_13 = tpu.memref_squeeze %dma_start3A_12 : memref<1x128xi32, #tpu.memory_space<vmem>> -> memref<128xi32, #tpu.memory_space<vmem>>
    %dma_start3A_14 = arith.constant 0 : i32
    %dma_start3A_15 = arith.constant 0 : i32
    %dma_start3A_16 = tpu.memref_slice %arg2[%dma_start3A_14, %dma_start3A_15] : memref<450432x32xf32, #tpu.memory_space<hbm>> -> memref<450432x32xf32, #tpu.memory_space<hbm>>
    tpu.enqueue_indirect_dma source(%dma_start3A_16 : memref<450432x32xf32, #tpu.memory_space<hbm>>) target(%arg8 : memref<128x32xf32, #tpu.memory_space<vmem>>) offsets(%dma_start3A_13 : memref<128xi32, #tpu.memory_space<vmem>>) semaphore(%arg12 : memref<!tpu.dma_semaphore, #tpu.memory_space<semaphore_mem>>)
    %dma_start3A_17 = arith.constant 1 : i32
    %dma_start3A_18 = arith.constant 0 : i32
    %dma_start3A_19 = tpu.memref_slice %arg6[%dma_start3A_17, %dma_start3A_18] : memref<68x128xi32, #tpu.memory_space<vmem>> -> memref<1x128xi32, #tpu.memory_space<vmem>>
    %dma_start3A_20 = tpu.memref_squeeze %dma_start3A_19 : memref<1x128xi32, #tpu.memory_space<vmem>> -> memref<128xi32, #tpu.memory_space<vmem>>
    %dma_start3A_21 = arith.constant 0 : i32
    %dma_start3A_22 = arith.constant 0 : i32
    %dma_start3A_23 = tpu.memref_slice %arg2[%dma_start3A_21, %dma_start3A_22] : memref<450432x32xf32, #tpu.memory_space<hbm>> -> memref<450432x32xf32, #tpu.memory_space<hbm>>
    tpu.enqueue_indirect_dma source(%dma_start3A_23 : memref<450432x32xf32, #tpu.memory_space<hbm>>) target(%arg9 : memref<128x32xf32, #tpu.memory_space<vmem>>) offsets(%dma_start3A_20 : memref<128xi32, #tpu.memory_space<vmem>>) semaphore(%arg13 : memref<!tpu.dma_semaphore, #tpu.memory_space<semaphore_mem>>)
    %scan3A_24 = arith.constant 0 : i32
    %scan3A_25 = arith.constant 0 : i32
    %scan3A_26 = arith.constant 34 : i32
    %scan3A_27 = arith.addi %scan3A_25, %scan3A_26 : i32
    %scan3A_28 = arith.constant 1 : i32
    scf.for %scan3A_34 = %scan3A_25 to %scan3A_27 step %scan3A_28  : i32 {
      %mul3A_35 = arith.constant 2 : i32
      %mul3A_36 = arith.muli %mul3A_35, %scan3A_34 : i32
      %dma_wait3A = arith.constant 0 : i32
      %dma_wait3A_37 = tpu.memref_slice %arg6[%mul3A_36, %dma_wait3A] : memref<68x128xi32, #tpu.memory_space<vmem>> -> memref<1x128xi32, #tpu.memory_space<vmem>>
      %dma_wait3A_38 = tpu.memref_squeeze %dma_wait3A_37 : memref<1x128xi32, #tpu.memory_space<vmem>> -> memref<128xi32, #tpu.memory_space<vmem>>
      %dma_wait3A_39 = arith.constant 0 : i32
      %dma_wait3A_40 = arith.constant 0 : i32
      %dma_wait3A_41 = tpu.memref_slice %arg2[%dma_wait3A_39, %dma_wait3A_40] : memref<450432x32xf32, #tpu.memory_space<hbm>> -> memref<450432x32xf32, #tpu.memory_space<hbm>>
      tpu.wait_indirect_dma semaphore(%arg12 : memref<!tpu.dma_semaphore, #tpu.memory_space<semaphore_mem>>) src(%dma_wait3A_41 : memref<450432x32xf32, #tpu.memory_space<hbm>>) dst(%arg8 : memref<128x32xf32, #tpu.memory_space<vmem>>)
      "tpu.region"() ({
        %run_scoped3A = tpu.sem_alloc : memref<!tpu.dma_semaphore, #tpu.memory_space<semaphore_mem>>
        %dma_start3A_62 = arith.constant 0 : i32
        %dma_start3A_63 = tpu.memref_slice %arg7[%mul3A_36, %dma_start3A_62] : memref<68x128xi32, #tpu.memory_space<vmem>> -> memref<1x128xi32, #tpu.memory_space<vmem>>
        %dma_start3A_64 = tpu.memref_squeeze %dma_start3A_63 : memref<1x128xi32, #tpu.memory_space<vmem>> -> memref<128xi32, #tpu.memory_space<vmem>>
        %dma_start3A_65 = arith.constant 0 : i32
        %dma_start3A_66 = arith.constant 0 : i32
        %dma_start3A_67 = tpu.memref_slice %arg11[%dma_start3A_65, %dma_start3A_66] : memref<50176x32xf32, #tpu.memory_space<vmem_shared>> -> memref<50176x32xf32, #tpu.memory_space<vmem_shared>>
        tpu.enqueue_indirect_dma source(%arg8 : memref<128x32xf32, #tpu.memory_space<vmem>>) target(%dma_start3A_67 : memref<50176x32xf32, #tpu.memory_space<vmem_shared>>) offsets(%dma_start3A_64 : memref<128xi32, #tpu.memory_space<vmem>>) semaphore(%run_scoped3A : memref<!tpu.dma_semaphore, #tpu.memory_space<semaphore_mem>>) {add = true}
        %dma_wait3A_68 = arith.constant 0 : i32
        %dma_wait3A_69 = tpu.memref_slice %arg7[%mul3A_36, %dma_wait3A_68] : memref<68x128xi32, #tpu.memory_space<vmem>> -> memref<1x128xi32, #tpu.memory_space<vmem>>
        %dma_wait3A_70 = tpu.memref_squeeze %dma_wait3A_69 : memref<1x128xi32, #tpu.memory_space<vmem>> -> memref<128xi32, #tpu.memory_space<vmem>>
        %dma_wait3A_71 = arith.constant 0 : i32
        %dma_wait3A_72 = arith.constant 0 : i32
        %dma_wait3A_73 = tpu.memref_slice %arg11[%dma_wait3A_71, %dma_wait3A_72] : memref<50176x32xf32, #tpu.memory_space<vmem_shared>> -> memref<50176x32xf32, #tpu.memory_space<vmem_shared>>
        tpu.wait_indirect_dma semaphore(%run_scoped3A : memref<!tpu.dma_semaphore, #tpu.memory_space<semaphore_mem>>) src(%arg8 : memref<128x32xf32, #tpu.memory_space<vmem>>) dst(%dma_wait3A_73 : memref<50176x32xf32, #tpu.memory_space<vmem_shared>>)
        tpu.yield
      }) : () -> ()
      %add3A = arith.constant 2 : i32
      %add3A_42 = arith.addi %mul3A_36, %add3A : i32
      %lt3A = arith.constant 68 : i32
      %lt3A_43 = arith.cmpi slt, %add3A_42, %lt3A : i32
      %convert_element_type3A = arith.extui %lt3A_43 : i1 to i32
      %cond3A = arith.constant 0 : i32
      %cond3A_44 = arith.cmpi ne, %convert_element_type3A, %cond3A : i32
      scf.if %cond3A_44 {
        %add3A_62 = arith.constant 2 : i32
        %add3A_63 = arith.addi %mul3A_36, %add3A_62 : i32
        %dma_start3A_64 = arith.constant 0 : i32
        %dma_start3A_65 = tpu.memref_slice %arg6[%add3A_63, %dma_start3A_64] : memref<68x128xi32, #tpu.memory_space<vmem>> -> memref<1x128xi32, #tpu.memory_space<vmem>>
        %dma_start3A_66 = tpu.memref_squeeze %dma_start3A_65 : memref<1x128xi32, #tpu.memory_space<vmem>> -> memref<128xi32, #tpu.memory_space<vmem>>
        %dma_start3A_67 = arith.constant 0 : i32
        %dma_start3A_68 = arith.constant 0 : i32
        %dma_start3A_69 = tpu.memref_slice %arg2[%dma_start3A_67, %dma_start3A_68] : memref<450432x32xf32, #tpu.memory_space<hbm>> -> memref<450432x32xf32, #tpu.memory_space<hbm>>
        tpu.enqueue_indirect_dma source(%dma_start3A_69 : memref<450432x32xf32, #tpu.memory_space<hbm>>) target(%arg8 : memref<128x32xf32, #tpu.memory_space<vmem>>) offsets(%dma_start3A_66 : memref<128xi32, #tpu.memory_space<vmem>>) semaphore(%arg12 : memref<!tpu.dma_semaphore, #tpu.memory_space<semaphore_mem>>)
      } else {
      }
      %add3A_45 = arith.constant 1 : i32
      %add3A_46 = arith.addi %mul3A_36, %add3A_45 : i32
      %dma_wait3A_47 = arith.constant 0 : i32
      %dma_wait3A_48 = tpu.memref_slice %arg6[%add3A_46, %dma_wait3A_47] : memref<68x128xi32, #tpu.memory_space<vmem>> -> memref<1x128xi32, #tpu.memory_space<vmem>>
      %dma_wait3A_49 = tpu.memref_squeeze %dma_wait3A_48 : memref<1x128xi32, #tpu.memory_space<vmem>> -> memref<128xi32, #tpu.memory_space<vmem>>
      %dma_wait3A_50 = arith.constant 0 : i32
      %dma_wait3A_51 = arith.constant 0 : i32
      %dma_wait3A_52 = tpu.memref_slice %arg2[%dma_wait3A_50, %dma_wait3A_51] : memref<450432x32xf32, #tpu.memory_space<hbm>> -> memref<450432x32xf32, #tpu.memory_space<hbm>>
      tpu.wait_indirect_dma semaphore(%arg13 : memref<!tpu.dma_semaphore, #tpu.memory_space<semaphore_mem>>) src(%dma_wait3A_52 : memref<450432x32xf32, #tpu.memory_space<hbm>>) dst(%arg9 : memref<128x32xf32, #tpu.memory_space<vmem>>)
      %add3A_53 = arith.constant 1 : i32
      %add3A_54 = arith.addi %mul3A_36, %add3A_53 : i32
      "tpu.region"() ({
        %run_scoped3A = tpu.sem_alloc : memref<!tpu.dma_semaphore, #tpu.memory_space<semaphore_mem>>
        %dma_start3A_62 = arith.constant 0 : i32
        %dma_start3A_63 = tpu.memref_slice %arg7[%add3A_54, %dma_start3A_62] : memref<68x128xi32, #tpu.memory_space<vmem>> -> memref<1x128xi32, #tpu.memory_space<vmem>>
        %dma_start3A_64 = tpu.memref_squeeze %dma_start3A_63 : memref<1x128xi32, #tpu.memory_space<vmem>> -> memref<128xi32, #tpu.memory_space<vmem>>
        %dma_start3A_65 = arith.constant 0 : i32
        %dma_start3A_66 = arith.constant 0 : i32
        %dma_start3A_67 = tpu.memref_slice %arg11[%dma_start3A_65, %dma_start3A_66] : memref<50176x32xf32, #tpu.memory_space<vmem_shared>> -> memref<50176x32xf32, #tpu.memory_space<vmem_shared>>
        tpu.enqueue_indirect_dma source(%arg9 : memref<128x32xf32, #tpu.memory_space<vmem>>) target(%dma_start3A_67 : memref<50176x32xf32, #tpu.memory_space<vmem_shared>>) offsets(%dma_start3A_64 : memref<128xi32, #tpu.memory_space<vmem>>) semaphore(%run_scoped3A : memref<!tpu.dma_semaphore, #tpu.memory_space<semaphore_mem>>) {add = true}
        %dma_wait3A_68 = arith.constant 0 : i32
        %dma_wait3A_69 = tpu.memref_slice %arg7[%add3A_54, %dma_wait3A_68] : memref<68x128xi32, #tpu.memory_space<vmem>> -> memref<1x128xi32, #tpu.memory_space<vmem>>
        %dma_wait3A_70 = tpu.memref_squeeze %dma_wait3A_69 : memref<1x128xi32, #tpu.memory_space<vmem>> -> memref<128xi32, #tpu.memory_space<vmem>>
        %dma_wait3A_71 = arith.constant 0 : i32
        %dma_wait3A_72 = arith.constant 0 : i32
        %dma_wait3A_73 = tpu.memref_slice %arg11[%dma_wait3A_71, %dma_wait3A_72] : memref<50176x32xf32, #tpu.memory_space<vmem_shared>> -> memref<50176x32xf32, #tpu.memory_space<vmem_shared>>
        tpu.wait_indirect_dma semaphore(%run_scoped3A : memref<!tpu.dma_semaphore, #tpu.memory_space<semaphore_mem>>) src(%arg9 : memref<128x32xf32, #tpu.memory_space<vmem>>) dst(%dma_wait3A_73 : memref<50176x32xf32, #tpu.memory_space<vmem_shared>>)
        tpu.yield
      }) : () -> ()
      %add3A_55 = arith.constant 3 : i32
      %add3A_56 = arith.addi %mul3A_36, %add3A_55 : i32
      %lt3A_57 = arith.constant 68 : i32
      %lt3A_58 = arith.cmpi slt, %add3A_56, %lt3A_57 : i32
      %convert_element_type3A_59 = arith.extui %lt3A_58 : i1 to i32
      %cond3A_60 = arith.constant 0 : i32
      %cond3A_61 = arith.cmpi ne, %convert_element_type3A_59, %cond3A_60 : i32
      scf.if %cond3A_61 {
        %add3A_62 = arith.constant 3 : i32
        %add3A_63 = arith.addi %mul3A_36, %add3A_62 : i32
        %dma_start3A_64 = arith.constant 0 : i32
        %dma_start3A_65 = tpu.memref_slice %arg6[%add3A_63, %dma_start3A_64] : memref<68x128xi32, #tpu.memory_space<vmem>> -> memref<1x128xi32, #tpu.memory_space<vmem>>
        %dma_start3A_66 = tpu.memref_squeeze %dma_start3A_65 : memref<1x128xi32, #tpu.memory_space<vmem>> -> memref<128xi32, #tpu.memory_space<vmem>>
        %dma_start3A_67 = arith.constant 0 : i32
        %dma_start3A_68 = arith.constant 0 : i32
        %dma_start3A_69 = tpu.memref_slice %arg2[%dma_start3A_67, %dma_start3A_68] : memref<450432x32xf32, #tpu.memory_space<hbm>> -> memref<450432x32xf32, #tpu.memory_space<hbm>>
        tpu.enqueue_indirect_dma source(%dma_start3A_69 : memref<450432x32xf32, #tpu.memory_space<hbm>>) target(%arg9 : memref<128x32xf32, #tpu.memory_space<vmem>>) offsets(%dma_start3A_66 : memref<128xi32, #tpu.memory_space<vmem>>) semaphore(%arg13 : memref<!tpu.dma_semaphore, #tpu.memory_space<semaphore_mem>>)
      } else {
      }
    }
    %scan3A_29 = arith.constant 34 : i32
    %barrier3A_30 = arith.constant 0 : index
    tpu.barrier barrier_id(%barrier3A_30)
    %mul3A = arith.constant 3128 : i32
    %mul3A_31 = arith.muli %arg1, %mul3A : i32
    %mul3A_32 = arith.constant 3128 : i32
    %mul3A_33 = arith.muli %arg1, %mul3A_32 : i32
    "tpu.region"() ({
      %run_scoped3A = tpu.sem_alloc : memref<!tpu.dma_semaphore, #tpu.memory_space<semaphore_mem>>
      %dma_start3A_34 = arith.constant 0 : i32
      %dma_start3A_35 = tpu.memref_slice %arg5[%arg0, %mul3A_33, %dma_start3A_34] : memref<2x50048x32xf32, #tpu.memory_space<hbm>> -> memref<1x3128x32xf32, #tpu.memory_space<hbm>>
      %dma_start3A_36 = tpu.memref_squeeze %dma_start3A_35 : memref<1x3128x32xf32, #tpu.memory_space<hbm>> -> memref<3128x32xf32, #tpu.memory_space<hbm>>
      %dma_start3A_37 = arith.constant 0 : i32
      %dma_start3A_38 = tpu.memref_slice %arg11[%mul3A_31, %dma_start3A_37] : memref<50176x32xf32, #tpu.memory_space<vmem_shared>> -> memref<3128x32xf32, #tpu.memory_space<vmem_shared>>
      tpu.enqueue_dma source(%dma_start3A_38 : memref<3128x32xf32, #tpu.memory_space<vmem_shared>>) target(%dma_start3A_36 : memref<3128x32xf32, #tpu.memory_space<hbm>>) target_semaphore(%run_scoped3A : memref<!tpu.dma_semaphore, #tpu.memory_space<semaphore_mem>>)
      %dma_wait3A = arith.constant 0 : i32
      %dma_wait3A_39 = tpu.memref_slice %arg5[%arg0, %mul3A_33, %dma_wait3A] : memref<2x50048x32xf32, #tpu.memory_space<hbm>> -> memref<1x3128x32xf32, #tpu.memory_space<hbm>>
      %dma_wait3A_40 = tpu.memref_squeeze %dma_wait3A_39 : memref<1x3128x32xf32, #tpu.memory_space<hbm>> -> memref<3128x32xf32, #tpu.memory_space<hbm>>
      %dma_wait3A_41 = arith.constant 0 : i32
      %dma_wait3A_42 = tpu.memref_slice %arg11[%mul3A_31, %dma_wait3A_41] : memref<50176x32xf32, #tpu.memory_space<vmem_shared>> -> memref<3128x32xf32, #tpu.memory_space<vmem_shared>>
      tpu.wait_dma2 semaphore(%run_scoped3A : memref<!tpu.dma_semaphore, #tpu.memory_space<semaphore_mem>>) src(%dma_wait3A_42 : memref<3128x32xf32, #tpu.memory_space<vmem_shared>>) dst(%dma_wait3A_40 : memref<3128x32xf32, #tpu.memory_space<hbm>>)
      tpu.yield
    }) : () -> ()
    return
  }
}

module attributes {stable_mosaic.version = 14 : i64} {
  func.func @_stats_kernel(%arg0: i32, %arg1: memref<3128x128xf32, #tpu.memory_space<vmem>>, %arg2: memref<2x128xf32, #tpu.memory_space<vmem>>, %arg3: memref<2x128xf32, #tpu.memory_space<vmem>>) attributes {dimension_semantics = [#tpu.dimension_semantics<arbitrary>], iteration_bounds = array<i64: 16>, scalar_prefetch = 0 : i64, scratch_operands = 1 : i64, tpu.core_type = #tpu.core_type<tc>, window_params = [{transform_indices = @transform_0, window_bounds = array<i64: 3128, 128>}, {pipeline_mode = #tpu.pipeline_mode<synchronous>, transform_indices = @transform_1, window_bounds = array<i64: 2, 128>}]} {
    %get3A = arith.constant 0 : index
    %get3A_0 = arith.constant 0 : index
    %get3A_1 = vector.load %arg1[%get3A, %get3A_0] : memref<3128x128xf32, #tpu.memory_space<vmem>>, vector<3128x128xf32>
    %reduce_sum3A = arith.constant dense<0.000000e+00> : vector<128xf32>
    %reduce_sum3A_2 = vector.multi_reduction <add>, %get3A_1, %reduce_sum3A [0] : vector<3128x128xf32> to vector<128xf32>
    %broadcast_in_dim3A = vector.shape_cast %reduce_sum3A_2 : vector<128xf32> to vector<1x128xf32>
    %mul3A = arith.mulf %get3A_1, %get3A_1 : vector<3128x128xf32>
    %reduce_sum3A_3 = arith.constant dense<0.000000e+00> : vector<128xf32>
    %reduce_sum3A_4 = vector.multi_reduction <add>, %mul3A, %reduce_sum3A_3 [0] : vector<3128x128xf32> to vector<128xf32>
    %broadcast_in_dim3A_5 = vector.shape_cast %reduce_sum3A_4 : vector<128xf32> to vector<1x128xf32>
    %concatenate3A = tpu.concatenate %broadcast_in_dim3A, %broadcast_in_dim3A_5 in 0 : vector<1x128xf32>, vector<1x128xf32> -> vector<2x128xf32>
    %eq3A = arith.constant 0 : i32
    %eq3A_6 = arith.cmpi eq, %arg0, %eq3A : i32
    %get3A_7 = arith.constant 0 : index
    %get3A_8 = arith.constant 0 : index
    %get3A_9 = vector.load %arg3[%get3A_7, %get3A_8] : memref<2x128xf32, #tpu.memory_space<vmem>>, vector<2x128xf32>
    %add3A = arith.addf %get3A_9, %concatenate3A : vector<2x128xf32>
    %select_n3A = arith.select %eq3A_6, %concatenate3A, %add3A : vector<2x128xf32>
    %swap3A = arith.constant 0 : index
    %swap3A_10 = arith.constant 0 : index
    %swap3A_11 = vector.load %arg3[%swap3A, %swap3A_10] : memref<2x128xf32, #tpu.memory_space<vmem>>, vector<2x128xf32>
    tpu.vector_store %arg3[%swap3A, %swap3A_10], %select_n3A {strides = array<i32>} : memref<2x128xf32, #tpu.memory_space<vmem>>, vector<2x128xf32>,
    %eq3A_12 = arith.constant 15 : i32
    %eq3A_13 = arith.cmpi eq, %arg0, %eq3A_12 : i32
    %convert_element_type3A = arith.extui %eq3A_13 : i1 to i32
    %cond3A = arith.constant 0 : i32
    %cond3A_14 = arith.cmpi ne, %convert_element_type3A, %cond3A : i32
    scf.if %cond3A_14 {
      %get3A_15 = arith.constant 0 : index
      %get3A_16 = arith.constant 0 : index
      %get3A_17 = vector.load %arg3[%get3A_15, %get3A_16] : memref<2x128xf32, #tpu.memory_space<vmem>>, vector<2x128xf32>
      %swap3A_18 = arith.constant 0 : index
      %swap3A_19 = arith.constant 0 : index
      %swap3A_20 = vector.load %arg2[%swap3A_18, %swap3A_19] : memref<2x128xf32, #tpu.memory_space<vmem>>, vector<2x128xf32>
      tpu.vector_store %arg2[%swap3A_18, %swap3A_19], %get3A_17 {strides = array<i32>} : memref<2x128xf32, #tpu.memory_space<vmem>>, vector<2x128xf32>,
    } else {
    }
    return
  }
  func.func @transform_0(%arg0: i32) -> (i32, i32) {
    %c0_i32 = arith.constant 0 : i32
    %c0_i32_0 = arith.constant 0 : i32
    return %arg0, %c0_i32 : i32, i32
  }
  func.func @transform_1(%arg0: i32) -> (i32, i32) {
    %c0_i32 = arith.constant 0 : i32
    %c0_i32_0 = arith.constant 0 : i32
    %c0_i32_1 = arith.constant 0 : i32
    return %c0_i32, %c0_i32_0 : i32, i32
  }
}

module attributes {stable_mosaic.version = 14 : i64} {
  func.func @_h1_kernel(%arg0: i32, %arg1: memref<4x3128x128xf32, #tpu.memory_space<vmem>>, %arg2: memref<1x128xf32, #tpu.memory_space<vmem>>, %arg3: memref<1x128xf32, #tpu.memory_space<vmem>>, %arg4: memref<4x128x128xf32, #tpu.memory_space<vmem>>, %arg5: memref<1x128xf32, #tpu.memory_space<vmem>>, %arg6: memref<1x128xi32, #tpu.memory_space<vmem>>, %arg7: memref<3128x128xf32, #tpu.memory_space<vmem>>, %arg8: memref<2x128xf32, #tpu.memory_space<vmem>>, %arg9: memref<2x128xf32, #tpu.memory_space<vmem>>) attributes {dimension_semantics = [#tpu.dimension_semantics<arbitrary>], iteration_bounds = array<i64: 4>, scalar_prefetch = 0 : i64, scratch_operands = 1 : i64, tpu.core_type = #tpu.core_type<tc>, window_params = [{transform_indices = @transform_0, window_bounds = array<i64: 4, 3128, 128>}, {pipeline_mode = #tpu.pipeline_mode<synchronous>, transform_indices = @transform_1, window_bounds = array<i64: 1, 128>}, {pipeline_mode = #tpu.pipeline_mode<synchronous>, transform_indices = @transform_2, window_bounds = array<i64: 1, 128>}, {pipeline_mode = #tpu.pipeline_mode<synchronous>, transform_indices = @transform_3, window_bounds = array<i64: 4, 128, 128>}, {pipeline_mode = #tpu.pipeline_mode<synchronous>, transform_indices = @transform_4, window_bounds = array<i64: 1, 128>}, {pipeline_mode = #tpu.pipeline_mode<synchronous>, transform_indices = @transform_5, window_bounds = array<i64: 1, 128>}, {transform_indices = @transform_6, window_bounds = array<i64: 3128, 128>}, {pipeline_mode = #tpu.pipeline_mode<synchronous>, transform_indices = @transform_7, window_bounds = array<i64: 2, 128>}]} {
    %get3A = arith.constant 0 : index
    %get3A_0 = arith.constant 0 : index
    %get3A_1 = vector.load %arg5[%get3A, %get3A_0] : memref<1x128xf32, #tpu.memory_space<vmem>>, vector<1x128xf32>
    %get3A_2 = arith.constant 0 : index
    %get3A_3 = arith.constant 0 : index
    %get3A_4 = arith.constant 0 : index
    %get3A_5 = vector.load %arg1[%get3A_2, %get3A_3, %get3A_4] : memref<4x3128x128xf32, #tpu.memory_space<vmem>>, vector<1x3128x128xf32>
    %get3A_6 = vector.shape_cast %get3A_5 : vector<1x3128x128xf32> to vector<3128x128xf32>
    %get3A_7 = arith.constant 0 : index
    %get3A_8 = arith.constant 0 : index
    %get3A_9 = vector.load %arg2[%get3A_7, %get3A_8] : memref<1x128xf32, #tpu.memory_space<vmem>>, vector<1x128xf32>
    %mul3A = vector.broadcast %get3A_9 : vector<1x128xf32> to vector<3128x128xf32>
    %mul3A_10 = arith.mulf %get3A_6, %mul3A : vector<3128x128xf32>
    %get3A_11 = arith.constant 0 : index
    %get3A_12 = arith.constant 0 : index
    %get3A_13 = vector.load %arg3[%get3A_11, %get3A_12] : memref<1x128xf32, #tpu.memory_space<vmem>>, vector<1x128xf32>
    %add3A = vector.broadcast %get3A_13 : vector<1x128xf32> to vector<3128x128xf32>
    %add3A_14 = arith.addf %mul3A_10, %add3A : vector<3128x128xf32>
    %max3A = arith.constant 0.000000e+00 : f32
    %max3A_15 = vector.broadcast %max3A : f32 to vector<3128x128xf32>
    %max3A_16 = arith.maximumf %add3A_14, %max3A_15 : vector<3128x128xf32>
    %get3A_17 = arith.constant 0 : index
    %get3A_18 = arith.constant 0 : index
    %get3A_19 = arith.constant 0 : index
    %get3A_20 = vector.load %arg4[%get3A_17, %get3A_18, %get3A_19] : memref<4x128x128xf32, #tpu.memory_space<vmem>>, vector<1x128x128xf32>
    %get3A_21 = vector.shape_cast %get3A_20 : vector<1x128x128xf32> to vector<128x128xf32>
    %dot_general3A = arith.constant dense<0.000000e+00> : vector<3128x128xf32>
    %dot_general3A_22 = tpu.matmul %max3A_16, %get3A_21, %dot_general3A {dimension_numbers = #tpu.dot_dimension_numbers<[1], [0], [0], [1], [0, 0, 1, 1], [], []>, transpose_lhs_hint = false} : vector<3128x128xf32>, vector<128x128xf32>, vector<3128x128xf32> -> vector<3128x128xf32>
    %add3A_23 = vector.broadcast %get3A_1 : vector<1x128xf32> to vector<3128x128xf32>
    %add3A_24 = arith.addf %add3A_23, %dot_general3A_22 : vector<3128x128xf32>
    %get3A_25 = arith.constant 1 : index
    %get3A_26 = arith.constant 0 : index
    %get3A_27 = arith.constant 0 : index
    %get3A_28 = vector.load %arg1[%get3A_25, %get3A_26, %get3A_27] : memref<4x3128x128xf32, #tpu.memory_space<vmem>>, vector<1x3128x128xf32>
    %get3A_29 = vector.shape_cast %get3A_28 : vector<1x3128x128xf32> to vector<3128x128xf32>
    %get3A_30 = arith.constant 0 : index
    %get3A_31 = arith.constant 0 : index
    %get3A_32 = vector.load %arg2[%get3A_30, %get3A_31] : memref<1x128xf32, #tpu.memory_space<vmem>>, vector<1x128xf32>
    %mul3A_33 = vector.broadcast %get3A_32 : vector<1x128xf32> to vector<3128x128xf32>
    %mul3A_34 = arith.mulf %get3A_29, %mul3A_33 : vector<3128x128xf32>
    %get3A_35 = arith.constant 0 : index
    %get3A_36 = arith.constant 0 : index
    %get3A_37 = vector.load %arg3[%get3A_35, %get3A_36] : memref<1x128xf32, #tpu.memory_space<vmem>>, vector<1x128xf32>
    %add3A_38 = vector.broadcast %get3A_37 : vector<1x128xf32> to vector<3128x128xf32>
    %add3A_39 = arith.addf %mul3A_34, %add3A_38 : vector<3128x128xf32>
    %max3A_40 = arith.constant 0.000000e+00 : f32
    %max3A_41 = vector.broadcast %max3A_40 : f32 to vector<3128x128xf32>
    %max3A_42 = arith.maximumf %add3A_39, %max3A_41 : vector<3128x128xf32>
    %get3A_43 = arith.constant 1 : index
    %get3A_44 = arith.constant 0 : index
    %get3A_45 = arith.constant 0 : index
    %get3A_46 = vector.load %arg4[%get3A_43, %get3A_44, %get3A_45] : memref<4x128x128xf32, #tpu.memory_space<vmem>>, vector<1x128x128xf32>
    %get3A_47 = vector.shape_cast %get3A_46 : vector<1x128x128xf32> to vector<128x128xf32>
    %dot_general3A_48 = arith.constant dense<0.000000e+00> : vector<3128x128xf32>
    %dot_general3A_49 = tpu.matmul %max3A_42, %get3A_47, %dot_general3A_48 {dimension_numbers = #tpu.dot_dimension_numbers<[1], [0], [0], [1], [0, 0, 1, 1], [], []>, transpose_lhs_hint = false} : vector<3128x128xf32>, vector<128x128xf32>, vector<3128x128xf32> -> vector<3128x128xf32>
    %add3A_50 = arith.addf %add3A_24, %dot_general3A_49 : vector<3128x128xf32>
    %get3A_51 = arith.constant 2 : index
    %get3A_52 = arith.constant 0 : index
    %get3A_53 = arith.constant 0 : index
    %get3A_54 = vector.load %arg1[%get3A_51, %get3A_52, %get3A_53] : memref<4x3128x128xf32, #tpu.memory_space<vmem>>, vector<1x3128x128xf32>
    %get3A_55 = vector.shape_cast %get3A_54 : vector<1x3128x128xf32> to vector<3128x128xf32>
    %get3A_56 = arith.constant 0 : index
    %get3A_57 = arith.constant 0 : index
    %get3A_58 = vector.load %arg2[%get3A_56, %get3A_57] : memref<1x128xf32, #tpu.memory_space<vmem>>, vector<1x128xf32>
    %mul3A_59 = vector.broadcast %get3A_58 : vector<1x128xf32> to vector<3128x128xf32>
    %mul3A_60 = arith.mulf %get3A_55, %mul3A_59 : vector<3128x128xf32>
    %get3A_61 = arith.constant 0 : index
    %get3A_62 = arith.constant 0 : index
    %get3A_63 = vector.load %arg3[%get3A_61, %get3A_62] : memref<1x128xf32, #tpu.memory_space<vmem>>, vector<1x128xf32>
    %add3A_64 = vector.broadcast %get3A_63 : vector<1x128xf32> to vector<3128x128xf32>
    %add3A_65 = arith.addf %mul3A_60, %add3A_64 : vector<3128x128xf32>
    %max3A_66 = arith.constant 0.000000e+00 : f32
    %max3A_67 = vector.broadcast %max3A_66 : f32 to vector<3128x128xf32>
    %max3A_68 = arith.maximumf %add3A_65, %max3A_67 : vector<3128x128xf32>
    %get3A_69 = arith.constant 2 : index
    %get3A_70 = arith.constant 0 : index
    %get3A_71 = arith.constant 0 : index
    %get3A_72 = vector.load %arg4[%get3A_69, %get3A_70, %get3A_71] : memref<4x128x128xf32, #tpu.memory_space<vmem>>, vector<1x128x128xf32>
    %get3A_73 = vector.shape_cast %get3A_72 : vector<1x128x128xf32> to vector<128x128xf32>
    %dot_general3A_74 = arith.constant dense<0.000000e+00> : vector<3128x128xf32>
    %dot_general3A_75 = tpu.matmul %max3A_68, %get3A_73, %dot_general3A_74 {dimension_numbers = #tpu.dot_dimension_numbers<[1], [0], [0], [1], [0, 0, 1, 1], [], []>, transpose_lhs_hint = false} : vector<3128x128xf32>, vector<128x128xf32>, vector<3128x128xf32> -> vector<3128x128xf32>
    %add3A_76 = arith.addf %add3A_50, %dot_general3A_75 : vector<3128x128xf32>
    %get3A_77 = arith.constant 3 : index
    %get3A_78 = arith.constant 0 : index
    %get3A_79 = arith.constant 0 : index
    %get3A_80 = vector.load %arg1[%get3A_77, %get3A_78, %get3A_79] : memref<4x3128x128xf32, #tpu.memory_space<vmem>>, vector<1x3128x128xf32>
    %get3A_81 = vector.shape_cast %get3A_80 : vector<1x3128x128xf32> to vector<3128x128xf32>
    %get3A_82 = arith.constant 0 : index
    %get3A_83 = arith.constant 0 : index
    %get3A_84 = vector.load %arg2[%get3A_82, %get3A_83] : memref<1x128xf32, #tpu.memory_space<vmem>>, vector<1x128xf32>
    %mul3A_85 = vector.broadcast %get3A_84 : vector<1x128xf32> to vector<3128x128xf32>
    %mul3A_86 = arith.mulf %get3A_81, %mul3A_85 : vector<3128x128xf32>
    %get3A_87 = arith.constant 0 : index
    %get3A_88 = arith.constant 0 : index
    %get3A_89 = vector.load %arg3[%get3A_87, %get3A_88] : memref<1x128xf32, #tpu.memory_space<vmem>>, vector<1x128xf32>
    %add3A_90 = vector.broadcast %get3A_89 : vector<1x128xf32> to vector<3128x128xf32>
    %add3A_91 = arith.addf %mul3A_86, %add3A_90 : vector<3128x128xf32>
    %max3A_92 = arith.constant 0.000000e+00 : f32
    %max3A_93 = vector.broadcast %max3A_92 : f32 to vector<3128x128xf32>
    %max3A_94 = arith.maximumf %add3A_91, %max3A_93 : vector<3128x128xf32>
    %get3A_95 = arith.constant 3 : index
    %get3A_96 = arith.constant 0 : index
    %get3A_97 = arith.constant 0 : index
    %get3A_98 = vector.load %arg4[%get3A_95, %get3A_96, %get3A_97] : memref<4x128x128xf32, #tpu.memory_space<vmem>>, vector<1x128x128xf32>
    %get3A_99 = vector.shape_cast %get3A_98 : vector<1x128x128xf32> to vector<128x128xf32>
    %dot_general3A_100 = arith.constant dense<0.000000e+00> : vector<3128x128xf32>
    %dot_general3A_101 = tpu.matmul %max3A_94, %get3A_99, %dot_general3A_100 {dimension_numbers = #tpu.dot_dimension_numbers<[1], [0], [0], [1], [0, 0, 1, 1], [], []>, transpose_lhs_hint = false} : vector<3128x128xf32>, vector<128x128xf32>, vector<3128x128xf32> -> vector<3128x128xf32>
    %add3A_102 = arith.addf %add3A_76, %dot_general3A_101 : vector<3128x128xf32>
    %mul3A_103 = arith.constant 3128 : i32
    %mul3A_104 = arith.muli %arg0, %mul3A_103 : i32
    %iota3A = tpu.iota {dimensions = array<i32: 0>} : vector<3128x128xi32>
    %add3A_105 = vector.broadcast %mul3A_104 : i32 to vector<3128x128xi32>
    %add3A_106 = arith.addi %add3A_105, %iota3A : vector<3128x128xi32>
    %get3A_107 = arith.constant 0 : index
    %get3A_108 = arith.constant 0 : index
    %get3A_109 = vector.load %arg6[%get3A_107, %get3A_108] : memref<1x128xi32, #tpu.memory_space<vmem>>, vector<1x128xi32>
    %lt3A = vector.broadcast %get3A_109 : vector<1x128xi32> to vector<3128x128xi32>
    %lt3A_110 = arith.cmpi slt, %add3A_106, %lt3A : vector<3128x128xi32>
    %jit3A = arith.constant 0.000000e+00 : f32
    %broadcast_in_dim3A = vector.broadcast %jit3A : f32 to vector<3128x128xf32>
    %select_n3A = arith.select %lt3A_110, %add3A_102, %broadcast_in_dim3A : vector<3128x128xi1>, vector<3128x128xf32>
    %swap3A = arith.constant 0 : index
    %swap3A_111 = arith.constant 0 : index
    %swap3A_112 = vector.load %arg7[%swap3A, %swap3A_111] : memref<3128x128xf32, #tpu.memory_space<vmem>>, vector<3128x128xf32>
    tpu.vector_store %arg7[%swap3A, %swap3A_111], %select_n3A {strides = array<i32>} : memref<3128x128xf32, #tpu.memory_space<vmem>>, vector<3128x128xf32>,
    %reduce_sum3A = arith.constant dense<0.000000e+00> : vector<128xf32>
    %reduce_sum3A_113 = vector.multi_reduction <add>, %select_n3A, %reduce_sum3A [0] : vector<3128x128xf32> to vector<128xf32>
    %broadcast_in_dim3A_114 = vector.shape_cast %reduce_sum3A_113 : vector<128xf32> to vector<1x128xf32>
    %mul3A_115 = arith.mulf %select_n3A, %select_n3A : vector<3128x128xf32>
    %reduce_sum3A_116 = arith.constant dense<0.000000e+00> : vector<128xf32>
    %reduce_sum3A_117 = vector.multi_reduction <add>, %mul3A_115, %reduce_sum3A_116 [0] : vector<3128x128xf32> to vector<128xf32>
    %broadcast_in_dim3A_118 = vector.shape_cast %reduce_sum3A_117 : vector<128xf32> to vector<1x128xf32>
    %concatenate3A = tpu.concatenate %broadcast_in_dim3A_114, %broadcast_in_dim3A_118 in 0 : vector<1x128xf32>, vector<1x128xf32> -> vector<2x128xf32>
    %eq3A = arith.constant 0 : i32
    %eq3A_119 = arith.cmpi eq, %arg0, %eq3A : i32
    %get3A_120 = arith.constant 0 : index
    %get3A_121 = arith.constant 0 : index
    %get3A_122 = vector.load %arg9[%get3A_120, %get3A_121] : memref<2x128xf32, #tpu.memory_space<vmem>>, vector<2x128xf32>
    %add3A_123 = arith.addf %get3A_122, %concatenate3A : vector<2x128xf32>
    %select_n3A_124 = arith.select %eq3A_119, %concatenate3A, %add3A_123 : vector<2x128xf32>
    %swap3A_125 = arith.constant 0 : index
    %swap3A_126 = arith.constant 0 : index
    %swap3A_127 = vector.load %arg9[%swap3A_125, %swap3A_126] : memref<2x128xf32, #tpu.memory_space<vmem>>, vector<2x128xf32>
    tpu.vector_store %arg9[%swap3A_125, %swap3A_126], %select_n3A_124 {strides = array<i32>} : memref<2x128xf32, #tpu.memory_space<vmem>>, vector<2x128xf32>,
    %eq3A_128 = arith.constant 3 : i32
    %eq3A_129 = arith.cmpi eq, %arg0, %eq3A_128 : i32
    %convert_element_type3A = arith.extui %eq3A_129 : i1 to i32
    %cond3A = arith.constant 0 : i32
    %cond3A_130 = arith.cmpi ne, %convert_element_type3A, %cond3A : i32
    scf.if %cond3A_130 {
      %get3A_131 = arith.constant 0 : index
      %get3A_132 = arith.constant 0 : index
      %get3A_133 = vector.load %arg9[%get3A_131, %get3A_132] : memref<2x128xf32, #tpu.memory_space<vmem>>, vector<2x128xf32>
      %swap3A_134 = arith.constant 0 : index
      %swap3A_135 = arith.constant 0 : index
      %swap3A_136 = vector.load %arg8[%swap3A_134, %swap3A_135] : memref<2x128xf32, #tpu.memory_space<vmem>>, vector<2x128xf32>
      tpu.vector_store %arg8[%swap3A_134, %swap3A_135], %get3A_133 {strides = array<i32>} : memref<2x128xf32, #tpu.memory_space<vmem>>, vector<2x128xf32>,
    } else {
    }
    return
  }
  func.func @transform_0(%arg0: i32) -> (i32, i32, i32) {
    %c0_i32 = arith.constant 0 : i32
    %c0_i32_0 = arith.constant 0 : i32
    %c0_i32_1 = arith.constant 0 : i32
    return %c0_i32, %arg0, %c0_i32_0 : i32, i32, i32
  }
  func.func @transform_1(%arg0: i32) -> (i32, i32) {
    %c0_i32 = arith.constant 0 : i32
    %c0_i32_0 = arith.constant 0 : i32
    %c0_i32_1 = arith.constant 0 : i32
    return %c0_i32, %c0_i32_0 : i32, i32
  }
  func.func @transform_2(%arg0: i32) -> (i32, i32) {
    %c0_i32 = arith.constant 0 : i32
    %c0_i32_0 = arith.constant 0 : i32
    %c0_i32_1 = arith.constant 0 : i32
    return %c0_i32, %c0_i32_0 : i32, i32
  }
  func.func @transform_3(%arg0: i32) -> (i32, i32, i32) {
    %c0_i32 = arith.constant 0 : i32
    %c0_i32_0 = arith.constant 0 : i32
    %c0_i32_1 = arith.constant 0 : i32
    %c0_i32_2 = arith.constant 0 : i32
    return %c0_i32, %c0_i32_0, %c0_i32_1 : i32, i32, i32
  }
  func.func @transform_4(%arg0: i32) -> (i32, i32) {
    %c0_i32 = arith.constant 0 : i32
    %c0_i32_0 = arith.constant 0 : i32
    %c0_i32_1 = arith.constant 0 : i32
    return %c0_i32, %c0_i32_0 : i32, i32
  }
  func.func @transform_5(%arg0: i32) -> (i32, i32) {
    %c0_i32 = arith.constant 0 : i32
    %c0_i32_0 = arith.constant 0 : i32
    %c0_i32_1 = arith.constant 0 : i32
    return %c0_i32, %c0_i32_0 : i32, i32
  }
  func.func @transform_6(%arg0: i32) -> (i32, i32) {
    %c0_i32 = arith.constant 0 : i32
    %c0_i32_0 = arith.constant 0 : i32
    return %arg0, %c0_i32 : i32, i32
  }
  func.func @transform_7(%arg0: i32) -> (i32, i32) {
    %c0_i32 = arith.constant 0 : i32
    %c0_i32_0 = arith.constant 0 : i32
    %c0_i32_1 = arith.constant 0 : i32
    return %c0_i32, %c0_i32_0 : i32, i32
  }
}

module attributes {stable_mosaic.version = 14 : i64} {
  func.func @_proj_kernel(%arg0: i32, %arg1: memref<3128x128xf32, #tpu.memory_space<vmem>>, %arg2: memref<1x128xf32, #tpu.memory_space<vmem>>, %arg3: memref<1x128xf32, #tpu.memory_space<vmem>>, %arg4: memref<9x128x128xf32, #tpu.memory_space<vmem>>, %arg5: memref<9x3128x128xf32, #tpu.memory_space<vmem>>) attributes {dimension_semantics = [#tpu.dimension_semantics<arbitrary>], iteration_bounds = array<i64: 4>, scalar_prefetch = 0 : i64, scratch_operands = 0 : i64, tpu.core_type = #tpu.core_type<tc>, window_params = [{transform_indices = @transform_0, window_bounds = array<i64: 3128, 128>}, {pipeline_mode = #tpu.pipeline_mode<synchronous>, transform_indices = @transform_1, window_bounds = array<i64: 1, 128>}, {pipeline_mode = #tpu.pipeline_mode<synchronous>, transform_indices = @transform_2, window_bounds = array<i64: 1, 128>}, {pipeline_mode = #tpu.pipeline_mode<synchronous>, transform_indices = @transform_3, window_bounds = array<i64: 9, 128, 128>}, {transform_indices = @transform_4, window_bounds = array<i64: 9, 3128, 128>}]} {
    %get3A = arith.constant 0 : index
    %get3A_0 = arith.constant 0 : index
    %get3A_1 = vector.load %arg1[%get3A, %get3A_0] : memref<3128x128xf32, #tpu.memory_space<vmem>>, vector<3128x128xf32>
    %get3A_2 = arith.constant 0 : index
    %get3A_3 = arith.constant 0 : index
    %get3A_4 = vector.load %arg2[%get3A_2, %get3A_3] : memref<1x128xf32, #tpu.memory_space<vmem>>, vector<1x128xf32>
    %mul3A = vector.broadcast %get3A_4 : vector<1x128xf32> to vector<3128x128xf32>
    %mul3A_5 = arith.mulf %get3A_1, %mul3A : vector<3128x128xf32>
    %get3A_6 = arith.constant 0 : index
    %get3A_7 = arith.constant 0 : index
    %get3A_8 = vector.load %arg3[%get3A_6, %get3A_7] : memref<1x128xf32, #tpu.memory_space<vmem>>, vector<1x128xf32>
    %add3A = vector.broadcast %get3A_8 : vector<1x128xf32> to vector<3128x128xf32>
    %add3A_9 = arith.addf %mul3A_5, %add3A : vector<3128x128xf32>
    %max3A = arith.constant 0.000000e+00 : f32
    %max3A_10 = vector.broadcast %max3A : f32 to vector<3128x128xf32>
    %max3A_11 = arith.maximumf %add3A_9, %max3A_10 : vector<3128x128xf32>
    %get3A_12 = arith.constant 0 : index
    %get3A_13 = arith.constant 0 : index
    %get3A_14 = arith.constant 0 : index
    %get3A_15 = vector.load %arg4[%get3A_12, %get3A_13, %get3A_14] : memref<9x128x128xf32, #tpu.memory_space<vmem>>, vector<1x128x128xf32>
    %get3A_16 = vector.shape_cast %get3A_15 : vector<1x128x128xf32> to vector<128x128xf32>
    %dot_general3A = arith.constant dense<0.000000e+00> : vector<3128x128xf32>
    %dot_general3A_17 = tpu.matmul %max3A_11, %get3A_16, %dot_general3A {dimension_numbers = #tpu.dot_dimension_numbers<[1], [0], [0], [1], [0, 0, 1, 1], [], []>, transpose_lhs_hint = false} : vector<3128x128xf32>, vector<128x128xf32>, vector<3128x128xf32> -> vector<3128x128xf32>
    %swap3A = arith.constant 0 : index
    %swap3A_18 = arith.constant 0 : index
    %swap3A_19 = arith.constant 0 : index
    %swap3A_20 = vector.load %arg5[%swap3A, %swap3A_18, %swap3A_19] : memref<9x3128x128xf32, #tpu.memory_space<vmem>>, vector<1x3128x128xf32>
    %swap3A_21 = vector.shape_cast %swap3A_20 : vector<1x3128x128xf32> to vector<3128x128xf32>
    %swap3A_22 = vector.shape_cast %dot_general3A_17 : vector<3128x128xf32> to vector<1x3128x128xf32>
    tpu.vector_store %arg5[%swap3A, %swap3A_18, %swap3A_19], %swap3A_22 {strides = array<i32>} : memref<9x3128x128xf32, #tpu.memory_space<vmem>>, vector<1x3128x128xf32>,
    %get3A_23 = arith.constant 1 : index
    %get3A_24 = arith.constant 0 : index
    %get3A_25 = arith.constant 0 : index
    %get3A_26 = vector.load %arg4[%get3A_23, %get3A_24, %get3A_25] : memref<9x128x128xf32, #tpu.memory_space<vmem>>, vector<1x128x128xf32>
    %get3A_27 = vector.shape_cast %get3A_26 : vector<1x128x128xf32> to vector<128x128xf32>
    %dot_general3A_28 = arith.constant dense<0.000000e+00> : vector<3128x128xf32>
    %dot_general3A_29 = tpu.matmul %max3A_11, %get3A_27, %dot_general3A_28 {dimension_numbers = #tpu.dot_dimension_numbers<[1], [0], [0], [1], [0, 0, 1, 1], [], []>, transpose_lhs_hint = false} : vector<3128x128xf32>, vector<128x128xf32>, vector<3128x128xf32> -> vector<3128x128xf32>
    %swap3A_30 = arith.constant 1 : index
    %swap3A_31 = arith.constant 0 : index
    %swap3A_32 = arith.constant 0 : index
    %swap3A_33 = vector.load %arg5[%swap3A_30, %swap3A_31, %swap3A_32] : memref<9x3128x128xf32, #tpu.memory_space<vmem>>, vector<1x3128x128xf32>
    %swap3A_34 = vector.shape_cast %swap3A_33 : vector<1x3128x128xf32> to vector<3128x128xf32>
    %swap3A_35 = vector.shape_cast %dot_general3A_29 : vector<3128x128xf32> to vector<1x3128x128xf32>
    tpu.vector_store %arg5[%swap3A_30, %swap3A_31, %swap3A_32], %swap3A_35 {strides = array<i32>} : memref<9x3128x128xf32, #tpu.memory_space<vmem>>, vector<1x3128x128xf32>,
    %get3A_36 = arith.constant 2 : index
    %get3A_37 = arith.constant 0 : index
    %get3A_38 = arith.constant 0 : index
    %get3A_39 = vector.load %arg4[%get3A_36, %get3A_37, %get3A_38] : memref<9x128x128xf32, #tpu.memory_space<vmem>>, vector<1x128x128xf32>
    %get3A_40 = vector.shape_cast %get3A_39 : vector<1x128x128xf32> to vector<128x128xf32>
    %dot_general3A_41 = arith.constant dense<0.000000e+00> : vector<3128x128xf32>
    %dot_general3A_42 = tpu.matmul %max3A_11, %get3A_40, %dot_general3A_41 {dimension_numbers = #tpu.dot_dimension_numbers<[1], [0], [0], [1], [0, 0, 1, 1], [], []>, transpose_lhs_hint = false} : vector<3128x128xf32>, vector<128x128xf32>, vector<3128x128xf32> -> vector<3128x128xf32>
    %swap3A_43 = arith.constant 2 : index
    %swap3A_44 = arith.constant 0 : index
    %swap3A_45 = arith.constant 0 : index
    %swap3A_46 = vector.load %arg5[%swap3A_43, %swap3A_44, %swap3A_45] : memref<9x3128x128xf32, #tpu.memory_space<vmem>>, vector<1x3128x128xf32>
    %swap3A_47 = vector.shape_cast %swap3A_46 : vector<1x3128x128xf32> to vector<3128x128xf32>
    %swap3A_48 = vector.shape_cast %dot_general3A_42 : vector<3128x128xf32> to vector<1x3128x128xf32>
    tpu.vector_store %arg5[%swap3A_43, %swap3A_44, %swap3A_45], %swap3A_48 {strides = array<i32>} : memref<9x3128x128xf32, #tpu.memory_space<vmem>>, vector<1x3128x128xf32>,
    %get3A_49 = arith.constant 3 : index
    %get3A_50 = arith.constant 0 : index
    %get3A_51 = arith.constant 0 : index
    %get3A_52 = vector.load %arg4[%get3A_49, %get3A_50, %get3A_51] : memref<9x128x128xf32, #tpu.memory_space<vmem>>, vector<1x128x128xf32>
    %get3A_53 = vector.shape_cast %get3A_52 : vector<1x128x128xf32> to vector<128x128xf32>
    %dot_general3A_54 = arith.constant dense<0.000000e+00> : vector<3128x128xf32>
    %dot_general3A_55 = tpu.matmul %max3A_11, %get3A_53, %dot_general3A_54 {dimension_numbers = #tpu.dot_dimension_numbers<[1], [0], [0], [1], [0, 0, 1, 1], [], []>, transpose_lhs_hint = false} : vector<3128x128xf32>, vector<128x128xf32>, vector<3128x128xf32> -> vector<3128x128xf32>
    %swap3A_56 = arith.constant 3 : index
    %swap3A_57 = arith.constant 0 : index
    %swap3A_58 = arith.constant 0 : index
    %swap3A_59 = vector.load %arg5[%swap3A_56, %swap3A_57, %swap3A_58] : memref<9x3128x128xf32, #tpu.memory_space<vmem>>, vector<1x3128x128xf32>
    %swap3A_60 = vector.shape_cast %swap3A_59 : vector<1x3128x128xf32> to vector<3128x128xf32>
    %swap3A_61 = vector.shape_cast %dot_general3A_55 : vector<3128x128xf32> to vector<1x3128x128xf32>
    tpu.vector_store %arg5[%swap3A_56, %swap3A_57, %swap3A_58], %swap3A_61 {strides = array<i32>} : memref<9x3128x128xf32, #tpu.memory_space<vmem>>, vector<1x3128x128xf32>,
    %get3A_62 = arith.constant 4 : index
    %get3A_63 = arith.constant 0 : index
    %get3A_64 = arith.constant 0 : index
    %get3A_65 = vector.load %arg4[%get3A_62, %get3A_63, %get3A_64] : memref<9x128x128xf32, #tpu.memory_space<vmem>>, vector<1x128x128xf32>
    %get3A_66 = vector.shape_cast %get3A_65 : vector<1x128x128xf32> to vector<128x128xf32>
    %dot_general3A_67 = arith.constant dense<0.000000e+00> : vector<3128x128xf32>
    %dot_general3A_68 = tpu.matmul %max3A_11, %get3A_66, %dot_general3A_67 {dimension_numbers = #tpu.dot_dimension_numbers<[1], [0], [0], [1], [0, 0, 1, 1], [], []>, transpose_lhs_hint = false} : vector<3128x128xf32>, vector<128x128xf32>, vector<3128x128xf32> -> vector<3128x128xf32>
    %swap3A_69 = arith.constant 4 : index
    %swap3A_70 = arith.constant 0 : index
    %swap3A_71 = arith.constant 0 : index
    %swap3A_72 = vector.load %arg5[%swap3A_69, %swap3A_70, %swap3A_71] : memref<9x3128x128xf32, #tpu.memory_space<vmem>>, vector<1x3128x128xf32>
    %swap3A_73 = vector.shape_cast %swap3A_72 : vector<1x3128x128xf32> to vector<3128x128xf32>
    %swap3A_74 = vector.shape_cast %dot_general3A_68 : vector<3128x128xf32> to vector<1x3128x128xf32>
    tpu.vector_store %arg5[%swap3A_69, %swap3A_70, %swap3A_71], %swap3A_74 {strides = array<i32>} : memref<9x3128x128xf32, #tpu.memory_space<vmem>>, vector<1x3128x128xf32>,
    %get3A_75 = arith.constant 5 : index
    %get3A_76 = arith.constant 0 : index
    %get3A_77 = arith.constant 0 : index
    %get3A_78 = vector.load %arg4[%get3A_75, %get3A_76, %get3A_77] : memref<9x128x128xf32, #tpu.memory_space<vmem>>, vector<1x128x128xf32>
    %get3A_79 = vector.shape_cast %get3A_78 : vector<1x128x128xf32> to vector<128x128xf32>
    %dot_general3A_80 = arith.constant dense<0.000000e+00> : vector<3128x128xf32>
    %dot_general3A_81 = tpu.matmul %max3A_11, %get3A_79, %dot_general3A_80 {dimension_numbers = #tpu.dot_dimension_numbers<[1], [0], [0], [1], [0, 0, 1, 1], [], []>, transpose_lhs_hint = false} : vector<3128x128xf32>, vector<128x128xf32>, vector<3128x128xf32> -> vector<3128x128xf32>
    %swap3A_82 = arith.constant 5 : index
    %swap3A_83 = arith.constant 0 : index
    %swap3A_84 = arith.constant 0 : index
    %swap3A_85 = vector.load %arg5[%swap3A_82, %swap3A_83, %swap3A_84] : memref<9x3128x128xf32, #tpu.memory_space<vmem>>, vector<1x3128x128xf32>
    %swap3A_86 = vector.shape_cast %swap3A_85 : vector<1x3128x128xf32> to vector<3128x128xf32>
    %swap3A_87 = vector.shape_cast %dot_general3A_81 : vector<3128x128xf32> to vector<1x3128x128xf32>
    tpu.vector_store %arg5[%swap3A_82, %swap3A_83, %swap3A_84], %swap3A_87 {strides = array<i32>} : memref<9x3128x128xf32, #tpu.memory_space<vmem>>, vector<1x3128x128xf32>,
    %get3A_88 = arith.constant 6 : index
    %get3A_89 = arith.constant 0 : index
    %get3A_90 = arith.constant 0 : index
    %get3A_91 = vector.load %arg4[%get3A_88, %get3A_89, %get3A_90] : memref<9x128x128xf32, #tpu.memory_space<vmem>>, vector<1x128x128xf32>
    %get3A_92 = vector.shape_cast %get3A_91 : vector<1x128x128xf32> to vector<128x128xf32>
    %dot_general3A_93 = arith.constant dense<0.000000e+00> : vector<3128x128xf32>
    %dot_general3A_94 = tpu.matmul %max3A_11, %get3A_92, %dot_general3A_93 {dimension_numbers = #tpu.dot_dimension_numbers<[1], [0], [0], [1], [0, 0, 1, 1], [], []>, transpose_lhs_hint = false} : vector<3128x128xf32>, vector<128x128xf32>, vector<3128x128xf32> -> vector<3128x128xf32>
    %swap3A_95 = arith.constant 6 : index
    %swap3A_96 = arith.constant 0 : index
    %swap3A_97 = arith.constant 0 : index
    %swap3A_98 = vector.load %arg5[%swap3A_95, %swap3A_96, %swap3A_97] : memref<9x3128x128xf32, #tpu.memory_space<vmem>>, vector<1x3128x128xf32>
    %swap3A_99 = vector.shape_cast %swap3A_98 : vector<1x3128x128xf32> to vector<3128x128xf32>
    %swap3A_100 = vector.shape_cast %dot_general3A_94 : vector<3128x128xf32> to vector<1x3128x128xf32>
    tpu.vector_store %arg5[%swap3A_95, %swap3A_96, %swap3A_97], %swap3A_100 {strides = array<i32>} : memref<9x3128x128xf32, #tpu.memory_space<vmem>>, vector<1x3128x128xf32>,
    %get3A_101 = arith.constant 7 : index
    %get3A_102 = arith.constant 0 : index
    %get3A_103 = arith.constant 0 : index
    %get3A_104 = vector.load %arg4[%get3A_101, %get3A_102, %get3A_103] : memref<9x128x128xf32, #tpu.memory_space<vmem>>, vector<1x128x128xf32>
    %get3A_105 = vector.shape_cast %get3A_104 : vector<1x128x128xf32> to vector<128x128xf32>
    %dot_general3A_106 = arith.constant dense<0.000000e+00> : vector<3128x128xf32>
    %dot_general3A_107 = tpu.matmul %max3A_11, %get3A_105, %dot_general3A_106 {dimension_numbers = #tpu.dot_dimension_numbers<[1], [0], [0], [1], [0, 0, 1, 1], [], []>, transpose_lhs_hint = false} : vector<3128x128xf32>, vector<128x128xf32>, vector<3128x128xf32> -> vector<3128x128xf32>
    %swap3A_108 = arith.constant 7 : index
    %swap3A_109 = arith.constant 0 : index
    %swap3A_110 = arith.constant 0 : index
    %swap3A_111 = vector.load %arg5[%swap3A_108, %swap3A_109, %swap3A_110] : memref<9x3128x128xf32, #tpu.memory_space<vmem>>, vector<1x3128x128xf32>
    %swap3A_112 = vector.shape_cast %swap3A_111 : vector<1x3128x128xf32> to vector<3128x128xf32>
    %swap3A_113 = vector.shape_cast %dot_general3A_107 : vector<3128x128xf32> to vector<1x3128x128xf32>
    tpu.vector_store %arg5[%swap3A_108, %swap3A_109, %swap3A_110], %swap3A_113 {strides = array<i32>} : memref<9x3128x128xf32, #tpu.memory_space<vmem>>, vector<1x3128x128xf32>,
    %get3A_114 = arith.constant 8 : index
    %get3A_115 = arith.constant 0 : index
    %get3A_116 = arith.constant 0 : index
    %get3A_117 = vector.load %arg4[%get3A_114, %get3A_115, %get3A_116] : memref<9x128x128xf32, #tpu.memory_space<vmem>>, vector<1x128x128xf32>
    %get3A_118 = vector.shape_cast %get3A_117 : vector<1x128x128xf32> to vector<128x128xf32>
    %dot_general3A_119 = arith.constant dense<0.000000e+00> : vector<3128x128xf32>
    %dot_general3A_120 = tpu.matmul %max3A_11, %get3A_118, %dot_general3A_119 {dimension_numbers = #tpu.dot_dimension_numbers<[1], [0], [0], [1], [0, 0, 1, 1], [], []>, transpose_lhs_hint = false} : vector<3128x128xf32>, vector<128x128xf32>, vector<3128x128xf32> -> vector<3128x128xf32>
    %swap3A_121 = arith.constant 8 : index
    %swap3A_122 = arith.constant 0 : index
    %swap3A_123 = arith.constant 0 : index
    %swap3A_124 = vector.load %arg5[%swap3A_121, %swap3A_122, %swap3A_123] : memref<9x3128x128xf32, #tpu.memory_space<vmem>>, vector<1x3128x128xf32>
    %swap3A_125 = vector.shape_cast %swap3A_124 : vector<1x3128x128xf32> to vector<3128x128xf32>
    %swap3A_126 = vector.shape_cast %dot_general3A_120 : vector<3128x128xf32> to vector<1x3128x128xf32>
    tpu.vector_store %arg5[%swap3A_121, %swap3A_122, %swap3A_123], %swap3A_126 {strides = array<i32>} : memref<9x3128x128xf32, #tpu.memory_space<vmem>>, vector<1x3128x128xf32>,
    return
  }
  func.func @transform_0(%arg0: i32) -> (i32, i32) {
    %c0_i32 = arith.constant 0 : i32
    %c0_i32_0 = arith.constant 0 : i32
    return %arg0, %c0_i32 : i32, i32
  }
  func.func @transform_1(%arg0: i32) -> (i32, i32) {
    %c0_i32 = arith.constant 0 : i32
    %c0_i32_0 = arith.constant 0 : i32
    %c0_i32_1 = arith.constant 0 : i32
    return %c0_i32, %c0_i32_0 : i32, i32
  }
  func.func @transform_2(%arg0: i32) -> (i32, i32) {
    %c0_i32 = arith.constant 0 : i32
    %c0_i32_0 = arith.constant 0 : i32
    %c0_i32_1 = arith.constant 0 : i32
    return %c0_i32, %c0_i32_0 : i32, i32
  }
  func.func @transform_3(%arg0: i32) -> (i32, i32, i32) {
    %c0_i32 = arith.constant 0 : i32
    %c0_i32_0 = arith.constant 0 : i32
    %c0_i32_1 = arith.constant 0 : i32
    %c0_i32_2 = arith.constant 0 : i32
    return %c0_i32, %c0_i32_0, %c0_i32_1 : i32, i32, i32
  }
  func.func @transform_4(%arg0: i32) -> (i32, i32, i32) {
    %c0_i32 = arith.constant 0 : i32
    %c0_i32_0 = arith.constant 0 : i32
    %c0_i32_1 = arith.constant 0 : i32
    return %c0_i32, %arg0, %c0_i32_0 : i32, i32, i32
  }
}

module attributes {stable_mosaic.version = 14 : i64} {
  func.func @_stats2_kernel(%arg0: i32, %arg1: memref<2x3128x128xf32, #tpu.memory_space<vmem>>, %arg2: memref<2x128xf32, #tpu.memory_space<vmem>>, %arg3: memref<2x128xf32, #tpu.memory_space<vmem>>) attributes {dimension_semantics = [#tpu.dimension_semantics<arbitrary>], iteration_bounds = array<i64: 4>, scalar_prefetch = 0 : i64, scratch_operands = 1 : i64, tpu.core_type = #tpu.core_type<tc>, window_params = [{transform_indices = @transform_0, window_bounds = array<i64: 2, 3128, 128>}, {pipeline_mode = #tpu.pipeline_mode<synchronous>, transform_indices = @transform_1, window_bounds = array<i64: 2, 128>}]} {
    %get3A = arith.constant 0 : index
    %get3A_0 = arith.constant 0 : index
    %get3A_1 = arith.constant 0 : index
    %get3A_2 = vector.load %arg1[%get3A, %get3A_0, %get3A_1] : memref<2x3128x128xf32, #tpu.memory_space<vmem>>, vector<1x3128x128xf32>
    %get3A_3 = vector.shape_cast %get3A_2 : vector<1x3128x128xf32> to vector<3128x128xf32>
    %get3A_4 = arith.constant 1 : index
    %get3A_5 = arith.constant 0 : index
    %get3A_6 = arith.constant 0 : index
    %get3A_7 = vector.load %arg1[%get3A_4, %get3A_5, %get3A_6] : memref<2x3128x128xf32, #tpu.memory_space<vmem>>, vector<1x3128x128xf32>
    %get3A_8 = vector.shape_cast %get3A_7 : vector<1x3128x128xf32> to vector<3128x128xf32>
    %add3A = arith.addf %get3A_3, %get3A_8 : vector<3128x128xf32>
    %reduce_sum3A = arith.constant dense<0.000000e+00> : vector<128xf32>
    %reduce_sum3A_9 = vector.multi_reduction <add>, %add3A, %reduce_sum3A [0] : vector<3128x128xf32> to vector<128xf32>
    %broadcast_in_dim3A = vector.shape_cast %reduce_sum3A_9 : vector<128xf32> to vector<1x128xf32>
    %mul3A = arith.mulf %add3A, %add3A : vector<3128x128xf32>
    %reduce_sum3A_10 = arith.constant dense<0.000000e+00> : vector<128xf32>
    %reduce_sum3A_11 = vector.multi_reduction <add>, %mul3A, %reduce_sum3A_10 [0] : vector<3128x128xf32> to vector<128xf32>
    %broadcast_in_dim3A_12 = vector.shape_cast %reduce_sum3A_11 : vector<128xf32> to vector<1x128xf32>
    %concatenate3A = tpu.concatenate %broadcast_in_dim3A, %broadcast_in_dim3A_12 in 0 : vector<1x128xf32>, vector<1x128xf32> -> vector<2x128xf32>
    %eq3A = arith.constant 0 : i32
    %eq3A_13 = arith.cmpi eq, %arg0, %eq3A : i32
    %get3A_14 = arith.constant 0 : index
    %get3A_15 = arith.constant 0 : index
    %get3A_16 = vector.load %arg3[%get3A_14, %get3A_15] : memref<2x128xf32, #tpu.memory_space<vmem>>, vector<2x128xf32>
    %add3A_17 = arith.addf %get3A_16, %concatenate3A : vector<2x128xf32>
    %select_n3A = arith.select %eq3A_13, %concatenate3A, %add3A_17 : vector<2x128xf32>
    %swap3A = arith.constant 0 : index
    %swap3A_18 = arith.constant 0 : index
    %swap3A_19 = vector.load %arg3[%swap3A, %swap3A_18] : memref<2x128xf32, #tpu.memory_space<vmem>>, vector<2x128xf32>
    tpu.vector_store %arg3[%swap3A, %swap3A_18], %select_n3A {strides = array<i32>} : memref<2x128xf32, #tpu.memory_space<vmem>>, vector<2x128xf32>,
    %eq3A_20 = arith.constant 3 : i32
    %eq3A_21 = arith.cmpi eq, %arg0, %eq3A_20 : i32
    %convert_element_type3A = arith.extui %eq3A_21 : i1 to i32
    %cond3A = arith.constant 0 : i32
    %cond3A_22 = arith.cmpi ne, %convert_element_type3A, %cond3A : i32
    scf.if %cond3A_22 {
      %get3A_23 = arith.constant 0 : index
      %get3A_24 = arith.constant 0 : index
      %get3A_25 = vector.load %arg3[%get3A_23, %get3A_24] : memref<2x128xf32, #tpu.memory_space<vmem>>, vector<2x128xf32>
      %swap3A_26 = arith.constant 0 : index
      %swap3A_27 = arith.constant 0 : index
      %swap3A_28 = vector.load %arg2[%swap3A_26, %swap3A_27] : memref<2x128xf32, #tpu.memory_space<vmem>>, vector<2x128xf32>
      tpu.vector_store %arg2[%swap3A_26, %swap3A_27], %get3A_25 {strides = array<i32>} : memref<2x128xf32, #tpu.memory_space<vmem>>, vector<2x128xf32>,
    } else {
    }
    return
  }
  func.func @transform_0(%arg0: i32) -> (i32, i32, i32) {
    %c0_i32 = arith.constant 0 : i32
    %c0_i32_0 = arith.constant 0 : i32
    %c0_i32_1 = arith.constant 0 : i32
    return %c0_i32, %arg0, %c0_i32_0 : i32, i32, i32
  }
  func.func @transform_1(%arg0: i32) -> (i32, i32) {
    %c0_i32 = arith.constant 0 : i32
    %c0_i32_0 = arith.constant 0 : i32
    %c0_i32_1 = arith.constant 0 : i32
    return %c0_i32, %c0_i32_0 : i32, i32
  }
}

module attributes {stable_mosaic.version = 14 : i64} {
  func.func @_final_kernel(%arg0: i32, %arg1: memref<2x3128x128xf32, #tpu.memory_space<vmem>>, %arg2: memref<4x3128x128xf32, #tpu.memory_space<vmem>>, %arg3: memref<1x128xf32, #tpu.memory_space<vmem>>, %arg4: memref<1x128xf32, #tpu.memory_space<vmem>>, %arg5: memref<128x512xf32, #tpu.memory_space<vmem>>, %arg6: memref<1x128xf32, #tpu.memory_space<vmem>>, %arg7: memref<1x128xf32, #tpu.memory_space<vmem>>, %arg8: memref<1x128xf32, #tpu.memory_space<vmem>>, %arg9: memref<4x3128x128xf32, #tpu.memory_space<vmem>>) attributes {dimension_semantics = [#tpu.dimension_semantics<arbitrary>], iteration_bounds = array<i64: 4>, scalar_prefetch = 0 : i64, scratch_operands = 0 : i64, tpu.core_type = #tpu.core_type<tc>, window_params = [{transform_indices = @transform_0, window_bounds = array<i64: 2, 3128, 128>}, {transform_indices = @transform_1, window_bounds = array<i64: 4, 3128, 128>}, {pipeline_mode = #tpu.pipeline_mode<synchronous>, transform_indices = @transform_2, window_bounds = array<i64: 1, 128>}, {pipeline_mode = #tpu.pipeline_mode<synchronous>, transform_indices = @transform_3, window_bounds = array<i64: 1, 128>}, {pipeline_mode = #tpu.pipeline_mode<synchronous>, transform_indices = @transform_4, window_bounds = array<i64: 128, 512>}, {pipeline_mode = #tpu.pipeline_mode<synchronous>, transform_indices = @transform_5, window_bounds = array<i64: 1, 128>}, {pipeline_mode = #tpu.pipeline_mode<synchronous>, transform_indices = @transform_6, window_bounds = array<i64: 1, 128>}, {pipeline_mode = #tpu.pipeline_mode<synchronous>, transform_indices = @transform_7, window_bounds = array<i64: 1, 128>}, {transform_indices = @transform_8, window_bounds = array<i64: 4, 3128, 128>}]} {
    %get3A = arith.constant 0 : index
    %get3A_0 = arith.constant 0 : index
    %get3A_1 = arith.constant 0 : index
    %get3A_2 = vector.load %arg1[%get3A, %get3A_0, %get3A_1] : memref<2x3128x128xf32, #tpu.memory_space<vmem>>, vector<1x3128x128xf32>
    %get3A_3 = vector.shape_cast %get3A_2 : vector<1x3128x128xf32> to vector<3128x128xf32>
    %get3A_4 = arith.constant 1 : index
    %get3A_5 = arith.constant 0 : index
    %get3A_6 = arith.constant 0 : index
    %get3A_7 = vector.load %arg1[%get3A_4, %get3A_5, %get3A_6] : memref<2x3128x128xf32, #tpu.memory_space<vmem>>, vector<1x3128x128xf32>
    %get3A_8 = vector.shape_cast %get3A_7 : vector<1x3128x128xf32> to vector<3128x128xf32>
    %add3A = arith.addf %get3A_3, %get3A_8 : vector<3128x128xf32>
    %get3A_9 = arith.constant 0 : index
    %get3A_10 = arith.constant 0 : index
    %get3A_11 = vector.load %arg3[%get3A_9, %get3A_10] : memref<1x128xf32, #tpu.memory_space<vmem>>, vector<1x128xf32>
    %mul3A = vector.broadcast %get3A_11 : vector<1x128xf32> to vector<3128x128xf32>
    %mul3A_12 = arith.mulf %add3A, %mul3A : vector<3128x128xf32>
    %get3A_13 = arith.constant 0 : index
    %get3A_14 = arith.constant 0 : index
    %get3A_15 = vector.load %arg4[%get3A_13, %get3A_14] : memref<1x128xf32, #tpu.memory_space<vmem>>, vector<1x128xf32>
    %add3A_16 = vector.broadcast %get3A_15 : vector<1x128xf32> to vector<3128x128xf32>
    %add3A_17 = arith.addf %mul3A_12, %add3A_16 : vector<3128x128xf32>
    %max3A = arith.constant 0.000000e+00 : f32
    %max3A_18 = vector.broadcast %max3A : f32 to vector<3128x128xf32>
    %max3A_19 = arith.maximumf %add3A_17, %max3A_18 : vector<3128x128xf32>
    %get3A_20 = arith.constant 0 : index
    %get3A_21 = arith.constant 0 : index
    %get3A_22 = vector.load %arg5[%get3A_20, %get3A_21] : memref<128x512xf32, #tpu.memory_space<vmem>>, vector<128x512xf32>
    %dot_general3A = arith.constant dense<0.000000e+00> : vector<3128x512xf32>
    %dot_general3A_23 = tpu.matmul %max3A_19, %get3A_22, %dot_general3A {dimension_numbers = #tpu.dot_dimension_numbers<[1], [0], [0], [1], [0, 0, 1, 1], [], []>, transpose_lhs_hint = false} : vector<3128x128xf32>, vector<128x512xf32>, vector<3128x512xf32> -> vector<3128x512xf32>
    %get3A_24 = arith.constant 0 : index
    %get3A_25 = arith.constant 0 : index
    %get3A_26 = arith.constant 0 : index
    %get3A_27 = vector.load %arg2[%get3A_24, %get3A_25, %get3A_26] : memref<4x3128x128xf32, #tpu.memory_space<vmem>>, vector<1x3128x128xf32>
    %get3A_28 = vector.shape_cast %get3A_27 : vector<1x3128x128xf32> to vector<3128x128xf32>
    %get3A_29 = arith.constant 0 : index
    %get3A_30 = arith.constant 0 : index
    %get3A_31 = vector.load %arg7[%get3A_29, %get3A_30] : memref<1x128xf32, #tpu.memory_space<vmem>>, vector<1x128xf32>
    %mul3A_32 = vector.broadcast %get3A_31 : vector<1x128xf32> to vector<3128x128xf32>
    %mul3A_33 = arith.mulf %get3A_28, %mul3A_32 : vector<3128x128xf32>
    %get3A_34 = arith.constant 0 : index
    %get3A_35 = arith.constant 0 : index
    %get3A_36 = vector.load %arg8[%get3A_34, %get3A_35] : memref<1x128xf32, #tpu.memory_space<vmem>>, vector<1x128xf32>
    %add3A_37 = vector.broadcast %get3A_36 : vector<1x128xf32> to vector<3128x128xf32>
    %add3A_38 = arith.addf %mul3A_33, %add3A_37 : vector<3128x128xf32>
    %max3A_39 = arith.constant 0.000000e+00 : f32
    %max3A_40 = vector.broadcast %max3A_39 : f32 to vector<3128x128xf32>
    %max3A_41 = arith.maximumf %add3A_38, %max3A_40 : vector<3128x128xf32>
    %slice3A = vector.extract_strided_slice %dot_general3A_23 {offsets = [0, 0], sizes = [3128, 128], strides = [1, 1]} : vector<3128x512xf32> to vector<3128x128xf32>
    %get3A_42 = arith.constant 0 : index
    %get3A_43 = arith.constant 0 : index
    %get3A_44 = vector.load %arg6[%get3A_42, %get3A_43] : memref<1x128xf32, #tpu.memory_space<vmem>>, vector<1x128xf32>
    %add3A_45 = vector.broadcast %get3A_44 : vector<1x128xf32> to vector<3128x128xf32>
    %add3A_46 = arith.addf %slice3A, %add3A_45 : vector<3128x128xf32>
    %add3A_47 = arith.addf %add3A_46, %max3A_41 : vector<3128x128xf32>
    %swap3A = arith.constant 0 : index
    %swap3A_48 = arith.constant 0 : index
    %swap3A_49 = arith.constant 0 : index
    %swap3A_50 = vector.load %arg9[%swap3A, %swap3A_48, %swap3A_49] : memref<4x3128x128xf32, #tpu.memory_space<vmem>>, vector<1x3128x128xf32>
    %swap3A_51 = vector.shape_cast %swap3A_50 : vector<1x3128x128xf32> to vector<3128x128xf32>
    %swap3A_52 = vector.shape_cast %add3A_47 : vector<3128x128xf32> to vector<1x3128x128xf32>
    tpu.vector_store %arg9[%swap3A, %swap3A_48, %swap3A_49], %swap3A_52 {strides = array<i32>} : memref<4x3128x128xf32, #tpu.memory_space<vmem>>, vector<1x3128x128xf32>,
    %get3A_53 = arith.constant 1 : index
    %get3A_54 = arith.constant 0 : index
    %get3A_55 = arith.constant 0 : index
    %get3A_56 = vector.load %arg2[%get3A_53, %get3A_54, %get3A_55] : memref<4x3128x128xf32, #tpu.memory_space<vmem>>, vector<1x3128x128xf32>
    %get3A_57 = vector.shape_cast %get3A_56 : vector<1x3128x128xf32> to vector<3128x128xf32>
    %get3A_58 = arith.constant 0 : index
    %get3A_59 = arith.constant 0 : index
    %get3A_60 = vector.load %arg7[%get3A_58, %get3A_59] : memref<1x128xf32, #tpu.memory_space<vmem>>, vector<1x128xf32>
    %mul3A_61 = vector.broadcast %get3A_60 : vector<1x128xf32> to vector<3128x128xf32>
    %mul3A_62 = arith.mulf %get3A_57, %mul3A_61 : vector<3128x128xf32>
    %get3A_63 = arith.constant 0 : index
    %get3A_64 = arith.constant 0 : index
    %get3A_65 = vector.load %arg8[%get3A_63, %get3A_64] : memref<1x128xf32, #tpu.memory_space<vmem>>, vector<1x128xf32>
    %add3A_66 = vector.broadcast %get3A_65 : vector<1x128xf32> to vector<3128x128xf32>
    %add3A_67 = arith.addf %mul3A_62, %add3A_66 : vector<3128x128xf32>
    %max3A_68 = arith.constant 0.000000e+00 : f32
    %max3A_69 = vector.broadcast %max3A_68 : f32 to vector<3128x128xf32>
    %max3A_70 = arith.maximumf %add3A_67, %max3A_69 : vector<3128x128xf32>
    %slice3A_71 = vector.extract_strided_slice %dot_general3A_23 {offsets = [0, 128], sizes = [3128, 128], strides = [1, 1]} : vector<3128x512xf32> to vector<3128x128xf32>
    %get3A_72 = arith.constant 0 : index
    %get3A_73 = arith.constant 0 : index
    %get3A_74 = vector.load %arg6[%get3A_72, %get3A_73] : memref<1x128xf32, #tpu.memory_space<vmem>>, vector<1x128xf32>
    %add3A_75 = vector.broadcast %get3A_74 : vector<1x128xf32> to vector<3128x128xf32>
    %add3A_76 = arith.addf %slice3A_71, %add3A_75 : vector<3128x128xf32>
    %add3A_77 = arith.addf %add3A_76, %max3A_70 : vector<3128x128xf32>
    %swap3A_78 = arith.constant 1 : index
    %swap3A_79 = arith.constant 0 : index
    %swap3A_80 = arith.constant 0 : index
    %swap3A_81 = vector.load %arg9[%swap3A_78, %swap3A_79, %swap3A_80] : memref<4x3128x128xf32, #tpu.memory_space<vmem>>, vector<1x3128x128xf32>
    %swap3A_82 = vector.shape_cast %swap3A_81 : vector<1x3128x128xf32> to vector<3128x128xf32>
    %swap3A_83 = vector.shape_cast %add3A_77 : vector<3128x128xf32> to vector<1x3128x128xf32>
    tpu.vector_store %arg9[%swap3A_78, %swap3A_79, %swap3A_80], %swap3A_83 {strides = array<i32>} : memref<4x3128x128xf32, #tpu.memory_space<vmem>>, vector<1x3128x128xf32>,
    %get3A_84 = arith.constant 2 : index
    %get3A_85 = arith.constant 0 : index
    %get3A_86 = arith.constant 0 : index
    %get3A_87 = vector.load %arg2[%get3A_84, %get3A_85, %get3A_86] : memref<4x3128x128xf32, #tpu.memory_space<vmem>>, vector<1x3128x128xf32>
    %get3A_88 = vector.shape_cast %get3A_87 : vector<1x3128x128xf32> to vector<3128x128xf32>
    %get3A_89 = arith.constant 0 : index
    %get3A_90 = arith.constant 0 : index
    %get3A_91 = vector.load %arg7[%get3A_89, %get3A_90] : memref<1x128xf32, #tpu.memory_space<vmem>>, vector<1x128xf32>
    %mul3A_92 = vector.broadcast %get3A_91 : vector<1x128xf32> to vector<3128x128xf32>
    %mul3A_93 = arith.mulf %get3A_88, %mul3A_92 : vector<3128x128xf32>
    %get3A_94 = arith.constant 0 : index
    %get3A_95 = arith.constant 0 : index
    %get3A_96 = vector.load %arg8[%get3A_94, %get3A_95] : memref<1x128xf32, #tpu.memory_space<vmem>>, vector<1x128xf32>
    %add3A_97 = vector.broadcast %get3A_96 : vector<1x128xf32> to vector<3128x128xf32>
    %add3A_98 = arith.addf %mul3A_93, %add3A_97 : vector<3128x128xf32>
    %max3A_99 = arith.constant 0.000000e+00 : f32
    %max3A_100 = vector.broadcast %max3A_99 : f32 to vector<3128x128xf32>
    %max3A_101 = arith.maximumf %add3A_98, %max3A_100 : vector<3128x128xf32>
    %slice3A_102 = vector.extract_strided_slice %dot_general3A_23 {offsets = [0, 256], sizes = [3128, 128], strides = [1, 1]} : vector<3128x512xf32> to vector<3128x128xf32>
    %get3A_103 = arith.constant 0 : index
    %get3A_104 = arith.constant 0 : index
    %get3A_105 = vector.load %arg6[%get3A_103, %get3A_104] : memref<1x128xf32, #tpu.memory_space<vmem>>, vector<1x128xf32>
    %add3A_106 = vector.broadcast %get3A_105 : vector<1x128xf32> to vector<3128x128xf32>
    %add3A_107 = arith.addf %slice3A_102, %add3A_106 : vector<3128x128xf32>
    %add3A_108 = arith.addf %add3A_107, %max3A_101 : vector<3128x128xf32>
    %swap3A_109 = arith.constant 2 : index
    %swap3A_110 = arith.constant 0 : index
    %swap3A_111 = arith.constant 0 : index
    %swap3A_112 = vector.load %arg9[%swap3A_109, %swap3A_110, %swap3A_111] : memref<4x3128x128xf32, #tpu.memory_space<vmem>>, vector<1x3128x128xf32>
    %swap3A_113 = vector.shape_cast %swap3A_112 : vector<1x3128x128xf32> to vector<3128x128xf32>
    %swap3A_114 = vector.shape_cast %add3A_108 : vector<3128x128xf32> to vector<1x3128x128xf32>
    tpu.vector_store %arg9[%swap3A_109, %swap3A_110, %swap3A_111], %swap3A_114 {strides = array<i32>} : memref<4x3128x128xf32, #tpu.memory_space<vmem>>, vector<1x3128x128xf32>,
    %get3A_115 = arith.constant 3 : index
    %get3A_116 = arith.constant 0 : index
    %get3A_117 = arith.constant 0 : index
    %get3A_118 = vector.load %arg2[%get3A_115, %get3A_116, %get3A_117] : memref<4x3128x128xf32, #tpu.memory_space<vmem>>, vector<1x3128x128xf32>
    %get3A_119 = vector.shape_cast %get3A_118 : vector<1x3128x128xf32> to vector<3128x128xf32>
    %get3A_120 = arith.constant 0 : index
    %get3A_121 = arith.constant 0 : index
    %get3A_122 = vector.load %arg7[%get3A_120, %get3A_121] : memref<1x128xf32, #tpu.memory_space<vmem>>, vector<1x128xf32>
    %mul3A_123 = vector.broadcast %get3A_122 : vector<1x128xf32> to vector<3128x128xf32>
    %mul3A_124 = arith.mulf %get3A_119, %mul3A_123 : vector<3128x128xf32>
    %get3A_125 = arith.constant 0 : index
    %get3A_126 = arith.constant 0 : index
    %get3A_127 = vector.load %arg8[%get3A_125, %get3A_126] : memref<1x128xf32, #tpu.memory_space<vmem>>, vector<1x128xf32>
    %add3A_128 = vector.broadcast %get3A_127 : vector<1x128xf32> to vector<3128x128xf32>
    %add3A_129 = arith.addf %mul3A_124, %add3A_128 : vector<3128x128xf32>
    %max3A_130 = arith.constant 0.000000e+00 : f32
    %max3A_131 = vector.broadcast %max3A_130 : f32 to vector<3128x128xf32>
    %max3A_132 = arith.maximumf %add3A_129, %max3A_131 : vector<3128x128xf32>
    %slice3A_133 = vector.extract_strided_slice %dot_general3A_23 {offsets = [0, 384], sizes = [3128, 128], strides = [1, 1]} : vector<3128x512xf32> to vector<3128x128xf32>
    %get3A_134 = arith.constant 0 : index
    %get3A_135 = arith.constant 0 : index
    %get3A_136 = vector.load %arg6[%get3A_134, %get3A_135] : memref<1x128xf32, #tpu.memory_space<vmem>>, vector<1x128xf32>
    %add3A_137 = vector.broadcast %get3A_136 : vector<1x128xf32> to vector<3128x128xf32>
    %add3A_138 = arith.addf %slice3A_133, %add3A_137 : vector<3128x128xf32>
    %add3A_139 = arith.addf %add3A_138, %max3A_132 : vector<3128x128xf32>
    %swap3A_140 = arith.constant 3 : index
    %swap3A_141 = arith.constant 0 : index
    %swap3A_142 = arith.constant 0 : index
    %swap3A_143 = vector.load %arg9[%swap3A_140, %swap3A_141, %swap3A_142] : memref<4x3128x128xf32, #tpu.memory_space<vmem>>, vector<1x3128x128xf32>
    %swap3A_144 = vector.shape_cast %swap3A_143 : vector<1x3128x128xf32> to vector<3128x128xf32>
    %swap3A_145 = vector.shape_cast %add3A_139 : vector<3128x128xf32> to vector<1x3128x128xf32>
    tpu.vector_store %arg9[%swap3A_140, %swap3A_141, %swap3A_142], %swap3A_145 {strides = array<i32>} : memref<4x3128x128xf32, #tpu.memory_space<vmem>>, vector<1x3128x128xf32>,
    return
  }
  func.func @transform_0(%arg0: i32) -> (i32, i32, i32) {
    %c0_i32 = arith.constant 0 : i32
    %c0_i32_0 = arith.constant 0 : i32
    %c0_i32_1 = arith.constant 0 : i32
    return %c0_i32, %arg0, %c0_i32_0 : i32, i32, i32
  }
  func.func @transform_1(%arg0: i32) -> (i32, i32, i32) {
    %c0_i32 = arith.constant 0 : i32
    %c0_i32_0 = arith.constant 0 : i32
    %c0_i32_1 = arith.constant 0 : i32
    return %c0_i32, %arg0, %c0_i32_0 : i32, i32, i32
  }
  func.func @transform_2(%arg0: i32) -> (i32, i32) {
    %c0_i32 = arith.constant 0 : i32
    %c0_i32_0 = arith.constant 0 : i32
    %c0_i32_1 = arith.constant 0 : i32
    return %c0_i32, %c0_i32_0 : i32, i32
  }
  func.func @transform_3(%arg0: i32) -> (i32, i32) {
    %c0_i32 = arith.constant 0 : i32
    %c0_i32_0 = arith.constant 0 : i32
    %c0_i32_1 = arith.constant 0 : i32
    return %c0_i32, %c0_i32_0 : i32, i32
  }
  func.func @transform_4(%arg0: i32) -> (i32, i32) {
    %c0_i32 = arith.constant 0 : i32
    %c0_i32_0 = arith.constant 0 : i32
    %c0_i32_1 = arith.constant 0 : i32
    return %c0_i32, %c0_i32_0 : i32, i32
  }
  func.func @transform_5(%arg0: i32) -> (i32, i32) {
    %c0_i32 = arith.constant 0 : i32
    %c0_i32_0 = arith.constant 0 : i32
    %c0_i32_1 = arith.constant 0 : i32
    return %c0_i32, %c0_i32_0 : i32, i32
  }
  func.func @transform_6(%arg0: i32) -> (i32, i32) {
    %c0_i32 = arith.constant 0 : i32
    %c0_i32_0 = arith.constant 0 : i32
    %c0_i32_1 = arith.constant 0 : i32
    return %c0_i32, %c0_i32_0 : i32, i32
  }
  func.func @transform_7(%arg0: i32) -> (i32, i32) {
    %c0_i32 = arith.constant 0 : i32
    %c0_i32_0 = arith.constant 0 : i32
    %c0_i32_1 = arith.constant 0 : i32
    return %c0_i32, %c0_i32_0 : i32, i32
  }
  func.func @transform_8(%arg0: i32) -> (i32, i32, i32) {
    %c0_i32 = arith.constant 0 : i32
    %c0_i32_0 = arith.constant 0 : i32
    %c0_i32_1 = arith.constant 0 : i32
    return %c0_i32, %arg0, %c0_i32_0 : i32, i32, i32
  }
}

</mosaic_0001>

<sc_bundles>
// kernel: kernel.8.cloned.1.call-start
scs
__scs_entry_jumppad:
0x0: {  	(pc) =	sbr.rel $0x88, $3  }
0x1: {  	(tag) =	ssettag $0x0;
	lr =	simm.s32 $0x1  }
0x2: {  	[smem:$0x3F92] =	sst lr;
	_ =	strace $0xD0000000  }
0x3: {  	_ = 	snop  }
0x4: {  	_ = 	snop  }
0x5: {  	_ = 	snop  }
0x6: {  	_ = 	snop  }
0x7: {  	_ = 	snop  }
__scs_overlays_trampoline_lowered:
0x8: {  	[smem:$0x3FA1] =	sst s0  }
0x9: {  	[smem:$0x3FA2] =	sst s1  }
0xa: {  	[smem:$0x3FA3] =	sst s2  }
0xb: {  	[smem:$0x3FA4] =	sst s3  }
0xc: {  	[smem:$0x3FA5] =	sst s4  }
0xd: {  	[smem:$0x3FA6] =	sst s5  }
0xe: {  	[smem:$0x3FA7] =	sst s6  }
0xf: {  	[smem:$0x3FA8] =	sst s7  }
0x10: {  	[smem:$0x3FA9] =	sst s8  }
0x11: {  	[smem:$0x3FAA] =	sst s9;
	s0 =	simm.s32 @!p0 $0x0  }
0x12: {  	s1 =	sld [smem:$0x3F90];
	s0 =	simm.s32 @p0 $0x1  }
0x13: {  	[smem:$0x3FAB] =	sst s0;
	s0 =	simm.s32 @!p1 $0x0  }
0x14: {  	s2 =	sld [smem:$0x3F8F];
	s0 =	simm.s32 @p1 $0x1  }
0x15: {  	[smem:$0x3FAC] =	sst s0;
	s0 =	simm.s32 @!p2 $0x0  }
0x16: {  	s3 =	sld [smem:$0x3FDB];
	s0 =	simm.s32 @p2 $0x1  }
0x17: {  	s4 =	simm.s32 $0x1BF5;
	[smem:$0x3FAE] =	sst s0  }
0x18: {  	s0 =	sld [smem:$0x3F91];
	_ =	swait.ge [sflag:s4], $0x0  }
0x19: {  	s7 =	sld [smem:$0x3F92]  }
0x1a: {  	s8 =	sadd.s32 $0xFFFFE003, lr  }
0x1b: {  	s9 =	sadd.s32 $0xFFFFFEF7, lr;
	s5 =	simm.s32 $0xFFFFFFFF;
	p2 =	slt.u32 s8, $0xFFFFF086  }
0x1c: {  	p1 =	slt.u32 s9, $0xF7A;
	s5 =	simm.s32 @!p2 $0x0  }
0x1d: {  	s5 =	simm.s32 @p1 $0x1;
	p0 =	seq.s32 s7, s2  }
0x1e: {  	s7 =	smul.u32 @!p0 $0xF7A, s2;
	p2 =	seq.s32 @!p0 s5, $0x0  }
0x1f: {  	s9 =	smul.u32 $0xF7A, s1;
	s8 =	simm.s32 @!p0 $0x1BF5;
	p2 =	por !p2, p0  }
0x20: {  	[sflag:s8] =	ssyncset.s32 @!p0 $0xFFFFF086;
	s6 =	sadd.s32 @!p0 s3, s7;
	s7 =	simm.s32 @!p0 $0x108  }
0x21: {  	s3 =	sadd.s32 s3, s9;
	s6 =	sadd.s32 @!p0 $0x88, s6;
	s7 =	simm.s32 @p2 $0x1082  }
0x22: {  	[simem:s7], [sflag:s8] =	dma.local @!p0 [hbm:s6], $0xF7A  }
0x23: {  	s9 =	sor.u32 $0xD0000000, s2;
	s6 =	simm.s32 $0x108;
	_ =	swait.ge @!p0 [sflag:s8], $0x0  }
0x24: {  	s3 =	sadd.s32 $0x88, s3;
	s6 =	simm.s32 @!p1 $0x1082;
	[sflag:s4] =	ssyncset.s32 $0xFFFFF086  }
0x25: {  	[simem:s6], [sflag:s4] =	dma.local [hbm:s3], $0xF7A  }
0x26: {  	[smem:$0x3F92] =	sst s1;
	(tag) =	ssettag s2;
	_ =	strace s9  }
0x27: {  	s1 =	sld [smem:$0x3FA2]  }
0x28: {  	s2 =	sld [smem:$0x3FA3]  }
0x29: {  	s4 =	sld [smem:$0x3FA5]  }
0x2a: {  	p0 =	seq.s32 s5, $0x0;
	s5 =	sld [smem:$0x3FA6]  }
0x2b: {  	s6 =	sld [smem:$0x3FA7]  }
0x2c: {  	s7 =	sld [smem:$0x3FA8]  }
0x2d: {  	s3 =	simm.s32 $0x108;
	s8 =	sld [smem:$0x3FA9]  }
0x2e: {  	s3 =	simm.s32 @!p0 $0x1082;
	s9 =	sld [smem:$0x3FAA]  }
0x2f: {  	lr =	sadd.s32 s0, s3;
	s0 =	sld [smem:$0x3FA1]  }
0x30: {  	s3 =	sld [smem:$0x3FA4]  }
0x31: {  	[smem:$0x3FAD] =	sst s10  }
0x32: {  	s10 =	sld [smem:$0x3FAB];
	_ =	sdelay $0x3  }
0x33: {  	p0 =	seq.s32 s10, $0x1;
	s10 =	sld [smem:$0x3FAD];
	_ =	sdelay $0x3  }
0x34: {  	[smem:$0x3FAD] =	sst s10  }
0x35: {  	s10 =	sld [smem:$0x3FAC];
	_ =	sdelay $0x3  }
0x36: {  	p1 =	seq.s32 s10, $0x1;
	s10 =	sld [smem:$0x3FAD];
	_ =	sdelay $0x3  }
0x37: {  	[smem:$0x3FAD] =	sst s10  }
0x38: {  	s10 =	sld [smem:$0x3FAE]  }
0x39: {  	_ = 	snop;
	(pc) =	sbr.ind lr, $3  }
0x3a: {  	_ = 	snop  }
0x3b: {  	_ = 	snop  }
0x3c: {  	p2 =	seq.s32 s10, $0x1;
	s10 =	sld [smem:$0x3FAD]  }
0x3d: {  	_ =	shalt  }
0x3e: {  	_ =	shalt  }
0x3f: {  	_ =	shalt  }
0x40: {  	_ =	shalt  }
0x41: {  	_ =	shalt  }
0x42: {  	_ =	shalt  }
0x43: {  	_ =	shalt  }
0x44: {  	_ =	shalt  }
0x45: {  	_ =	shalt  }
0x46: {  	_ =	shalt  }
0x47: {  	_ =	shalt  }
0x48: {  	_ =	shalt  }
0x49: {  	_ =	shalt  }
0x4a: {  	_ =	shalt  }
0x4b: {  	_ =	shalt  }
0x4c: {  	_ =	shalt  }
0x4d: {  	_ =	shalt  }
0x4e: {  	_ =	shalt  }
0x4f: {  	_ =	shalt  }
0x50: {  	_ =	shalt  }
0x51: {  	_ =	shalt  }
0x52: {  	_ =	shalt  }
0x53: {  	_ =	shalt  }
0x54: {  	_ =	shalt  }
0x55: {  	_ =	shalt  }
0x56: {  	_ =	shalt  }
0x57: {  	_ =	shalt  }
0x58: {  	_ =	shalt  }
0x59: {  	_ =	shalt  }
0x5a: {  	_ =	shalt  }
0x5b: {  	_ =	shalt  }
0x5c: {  	_ =	shalt  }
0x5d: {  	_ =	shalt  }
0x5e: {  	_ =	shalt  }
0x5f: {  	_ =	shalt  }
0x60: {  	_ =	shalt  }
0x61: {  	_ =	shalt  }
0x62: {  	_ =	shalt  }
0x63: {  	_ =	shalt  }
0x64: {  	_ =	shalt  }
0x65: {  	_ =	shalt  }
0x66: {  	_ =	shalt  }
0x67: {  	_ =	shalt  }
0x68: {  	_ =	shalt  }
0x69: {  	_ =	shalt  }
0x6a: {  	_ =	shalt  }
0x6b: {  	_ =	shalt  }
0x6c: {  	_ =	shalt  }
0x6d: {  	_ =	shalt  }
0x6e: {  	_ =	shalt  }
0x6f: {  	_ =	shalt  }
0x70: {  	_ =	shalt  }
0x71: {  	_ =	shalt  }
0x72: {  	_ =	shalt  }
0x73: {  	_ =	shalt  }
0x74: {  	_ =	shalt  }
0x75: {  	_ =	shalt  }
0x76: {  	_ =	shalt  }
0x77: {  	_ =	shalt  }
0x78: {  	_ =	shalt  }
0x79: {  	_ =	shalt  }
0x7a: {  	_ =	shalt  }
0x7b: {  	_ =	shalt  }
0x7c: {  	_ =	shalt  }
0x7d: {  	_ =	shalt  }
0x7e: {  	_ =	shalt  }
0x7f: {  	_ =	shalt  }
0x80: {  	_ =	shalt  }
0x81: {  	_ =	shalt  }
0x82: {  	_ =	shalt  }
0x83: {  	_ =	shalt  }
0x84: {  	_ =	shalt  }
0x85: {  	_ =	shalt  }
0x86: {  	_ =	shalt  }
0x87: {  	_ =	shalt  }
.Lfunc_end0:
.L_simem_size_0:
called_computation_lowered:
.L_overlay_start_0:
0x88: {  	s2 =	sld [smem:$0x3FD9]  }
0x89: {  	s3 =	sld [smem:$0x3FFE];
	_ =	sdelay $0x1  }
0x8a: {  	s1 =	srdreg.scid  }
0x8b: {  	s0 =	sand.u32 $0x1, s1  }
0x8c: {  	s17 =	sshll.u32 s0, $0xA;
	s2 =	sadd.s32 s3, s2  }
0x8d: {  	s2 =	sadd.s32 s2, s17  }
0x8e: {  	[smem:$0x3FB9] =	sst s2  }
0x8f: {  	_ = 	snop  }
0x90: {  	s2 =	sld [smem:$0x3FD0];
	(tm) =	ssettm $0x1  }
0x91: {  	s18 =	sld [smem:$0x3FFB];
	_ =	sdelay $0x3  }
0x92: {  	_ =	strace s18  }
0x93: {  	s3 =	sld [smem:$0x3FFC];
	_ =	sdelay $0x3  }
0x94: {  	_ =	strace s3  }
0x95: {  	s3 =	sld [smem:$0x3FFD];
	_ =	sdelay $0x3  }
0x96: {  	_ =	strace s3  }
0x97: {  	_ =	strace $0x8FFFFFFF  }
0x98: {  	s19 =	sld [smem:$0x3FDB];
	_ =	sdelay $0x1  }
0x99: {  	s4 =	simm.s32 $_scs_section_size  }
0x9a: {  	s5 =	simm.s32 $_size__tile_overlayer_lowered;
	s6 =	simm.s32 $_tile_overlayer_lowered  }
0x9b: {  	s22 =	simm.s32 $0x1BFF;
	s21 =	sshll.u32 s6, $0x1;
	s3 =	sadd.s32 s4, s19  }
0x9c: {  	s7 =	simm.s32 $0x0;
	s20 =	sshll.u32 s5, $0x1;
	s5 =	sadd.s32 s21, s3  }
0x9d: {  	[timem:s7], [sflag:s22] =	dma.local [hbm:s5], s20  }
0x9e: {  	_ =	swait.ge [sflag:s22], s20  }
0x9f: {  	s4 =	ssub.s32 $0x0, s20;
	[sflag:s22] =	ssyncset.done $0x0  }
0xa0: {  	[sflag:s22] =	ssyncadd.s32 s4;
	_ =	sdelay $0x1  }
0xa1: {  	s23 =	simm.s32 $0x1B8B  }
0xa2: {  	_ =	swait.ge [sflag:s23], $0x1  }
0xa3: {  	[sflag:s23] =	ssyncset.done $0x0  }
0xa4: {  	s25 =	simm.s32 $0x1B8E;
	s24 =	sld [smem:$0x3FFE];
	[sflag:s23] =	ssyncadd.s32 $0xFFFFFFFF  }
0xa5: {  	s26 =	simm.s32 $execute0_lowered;
	[smem:$0x3FD2] =	sst s25  }
0xa6: {  	s5 =	sshll.u32 s26, $0x1;
	_ =	strace $0x80000046;
	[dreg:$0x1] =	wrdreg $0xFFFFFFFF  }
0xa7: {  	s28 =	simm.s32 $_size_execute0_lowered;
	s3 =	sadd.s32 s3, s5;
	[dreg:$0x0] =	wrdreg $0x0  }
0xa8: {  	s5 =	sshll.u32 s28, $0x1;
	[dreg:$0x2] =	wrdreg s3  }
0xa9: {  	[dreg:$0x3] =	wrdreg s5  }
0xaa: {  	[dreg:$0x4] =	wrdreg $0xC0  }
0xab: {  	_ =	task [dreg:s7], $0x5FFFF  }
0xac: {  	[dreg:$0x1] =	wrdreg $0xFFFFFFFF  }
0xad: {  	[dreg:$0x0] =	wrdreg $0x60  }
0xae: {  	[dreg:$0x2] =	wrdreg s24  }
0xaf: {  	[dreg:$0x3] =	wrdreg s2  }
0xb0: {  	[dreg:$0x4] =	wrdreg $0x6C000  }
0xb1: {  	[dreg:$0x5] =	wrdreg $0x9  }
0xb2: {  	_ =	task.clear_ibuf [dreg:s7], $0x6FFFF;
	_ =	strace $0x90000046  }
0xb3: {  	s29 =	simm.s32 $0x9;
	_ =	strace $0x80000048  }
0xb4: {  	_ =	swait.ge [sflag:s29], $0x1  }
0xb5: {  	[sflag:s29] =	ssyncadd.s32 $0xFFFFFFFF  }
0xb6: {  	_ =	strace $0x90000048  }
0xb7: {  	_ =	sfence  }
0xb8: {  	s30 =	sld [smem:$0x0];
	_ =	sdelay $0x2  }
0xb9: {  	s31 =	sshll.u32 s1, $0xD;
	s1 =	sshrl.u32 s1, $0x2  }
0xba: {  	s3 =	sand.u32 $0x4000, s31;
	s1 =	sadd.s32 s1, s30  }
0xbb: {  	s0 =	sor.u32 s3, s0;
	s1 =	sshll.u32 s1, $0x11  }
0xbc: {  	s0 =	sor.u32 s1, s0  }
0xbd: {  	s0 =	sadd.s32 $0x8F2B, s0  }
0xbe: {  	[sflag:s0] =	ssyncadd.remote.s32 $0x1  }
0xbf: {  	_ =	sfence.sel $0xFFFF  }
0xc0: {  	[dreg:$0x0] =	wrdreg $0xFFFFFFFF;
	(pc) =	sbr.abs _section_cstart, $3  }
0xc1: {  	[dreg:$0x1] =	wrdreg $0xFFFFFFFF  }
0xc2: {  	_ =	task.clear_ibuf [dreg:s7], $0x2FFFF;
	_ =	strace $0x9FFFFFFF  }
0xc3: {  	(tm) =	ssettm $0x7FFFFFFF  }
tec
execute0_lowered:
.L_overlay_start_1:
0x0: {  	(tag) =	ssettag $0x1  }
0x1: {  	s5 =	rddreg [dreg:$0x0]  }
0x2: {  	s8 =	rddreg [dreg:$0x1];
	s0 =	srdreg.scid  }
0x3: {  	s2 =	rddreg [dreg:$0x2];
	s1 =	stileid.u32;
	s3 =	simm.s32 $0x0  }
0x4: {  	s13 =	simm.s32 $0x80;
	s14 =	simm.s32 $0x4400;
	s15 =	simm.s32 $0x5400  }
0x5: {  	s16 =	simm.s32 $0x1;
	s17 =	simm.s32 $0x2;
	s7 =	smul.u32 $0x2200, s1  }
0x6: {  	s18 =	simm.s32 $0x4300;
	s19 =	simm.s32 $0x4380;
	s9 =	smul.u32 $0x62000, s1  }
0x7: {  	s4 =	sand.u32 $0x1, s0;
	[smem:$0x7FF] =	sst s3;
	s11 =	smul.u32 $0x18700, s1  }
0x8: {  	s0 =	rddreg [dreg:$0x3];
	s6 =	smul.u32 $0x22000, s4;
	_ =	strace $0x80000047  }
0x9: {  	s28 =	smul.u32 $0x187000, s4;
	s10 =	ssub.s32 $0x2, s4;
	s4 =	sadd.s32 $0xD7800, s5  }
0xa: {  	s29 =	sshrl.u32 s10, $0x1;
	s30 =	sshrl.u32 s9, $0x2;
	s20 =	sadd.s32 s11, s2  }
0xb: {  	s6 =	sadd.s32 s7, s6;
	s10 =	ssub.s32 s10, s29;
	s7 =	sadd.s32 s11, s28  }
0xc: {  	s11 =	simm.s32 $0x3;
	s20 =	sshrl.u32 s20, $0x3;
	s6 =	sshrl.u32 s6, $0x3  }
0xd: {  	s31 =	sshrl.u32 s7, $0x3;
	s9 =	smax.u32 s10, $0x1;
	s10 =	simm.s32 $0x6400  }
0xe: {  	s12 =	sadd.s32 s6, s5;
	s5 =	sadd.s32 s30, s2;
	s8 =	sadd.s32 s8, s31  }
0xf: {  	v0 =	vimm.f32 $0.0e+00;
	s6 =	sadd.s32 $0xC6800, s12;
	s7 =	sadd.s32 $0xCF000, s12;
	s12 =	simm.s32 $0x2200  }
.LBB2_1:
0x10: {  	s21 =	simm.s32 $0x0  }
.LBB2_2:
0x11: {  	p0 =	sne.s32 s21, $0x1F80  }
.Ltmp0:
0x12: {  	_ = 	snop;
	(pc) =	sbr.rel @p0 .LBB2_2-.Ltmp0, $4  }
0x13: {  	_ = 	snop  }
0x14: {  	s22 =	sshra.s32 s21, $0x2  }
0x15: {  	[tilespmem:s22+$0x6400] =	vst v0  }
0x16: {  	s21 =	sadd.s32 $0x80, s21;
	[tilespmem:s22+$0x6410] =	vst v0  }
0x17: {  	s21 =	sadd.s32 $0x0, s5  }
0x18: {  	[spmem:s21] =	stream.linear.scatter [tilespmem:s10], [sflag:$0x3], $0x800, $0x38;
	[tilespmem:$0x1F400] =	vst v63  }
0x19: {  	s21 =	simm.s32 $0x2000;
	_ =	swait.ge [sflag:s11], $0x800  }
.LBB2_4:
0x1a: {  	s22 =	sshra.s32 s21, $0x2;
	[sflag:s11] =	ssyncset.done $0x0;
	p0 =	sne.s32 s21, $0x60000  }
.Ltmp1:
0x1b: {  	s22 =	sadd.s32 s22, s5;
	[sflag:s11] =	ssyncadd.s32 $0xFFFFF800;
	(pc) =	sbr.rel @p0 .LBB2_4-.Ltmp1, $3  }
0x1c: {  	[spmem:s22] =	stream.linear.scatter [tilespmem:s10], [sflag:$0x3], $0x800, $0x38;
	[tilespmem:$0x1F400] =	vst v63  }
0x1d: {  	s21 =	sadd.s32 $0x2000, s21;
	_ =	sdelay $0x1  }
0x1e: {  	_ =	swait.ge [sflag:s11], $0x800  }
0x1f: {  	[sflag:s11] =	ssyncset.done $0x0  }
0x20: {  	s21 =	simm.s32 $0x0;
	[sflag:s11] =	ssyncadd.s32 $0xFFFFF800  }
0x21: {  	[tilespmem:s21], [sflag:$0x3] =	stream.linear.gather [hbm4b:s6+s21], $0x2200, $0x38;
	[tilespmem:$0x1F400] =	vst v63  }
0x22: {  	_ =	swait.ge [sflag:s11], $0x2200  }
0x23: {  	[sflag:s11] =	ssyncset.done $0x0  }
0x24: {  	[sflag:s11] =	ssyncadd.s32 $0xFFFFDE00  }
0x25: {  	[tilespmem:s12], [sflag:$0x3] =	stream.linear.gather [hbm4b:s7+s21], $0x2200, $0x38;
	[tilespmem:$0x1F400] =	vst v63  }
0x26: {  	_ =	swait.ge [sflag:s11], $0x2200  }
0x27: {  	[sflag:s11] =	ssyncset.done $0x0  }
0x28: {  	[sflag:s11] =	ssyncadd.s32 $0xFFFFDE00  }
0x29: {  	[bflag:$0x0] =	sbarrier.arrive $0xFFFF  }
0x2a: {  	[tilespmem:s14], [sflag:$0x1] =	stream.indirect.gather [hbm4b:s4+s13], $0x20, s21, s13, $0xb8;
	[tilespmem:$0x1F400] =	vst v63  }
0x2b: {  	_ = 	snop  }
0x2c: {  	[tilespmem:s15], [sflag:$0x2] =	stream.indirect.gather [hbm4b:s4+s13], $0x20, s13, s13, $0xb8;
	[tilespmem:$0x1F400] =	vst v63  }
0x2d: {  	_ =	swait.ge [sflag:s16], $0x1000  }
0x2e: {  	[sflag:s16] =	ssyncset.done $0x0  }
0x2f: {  	s29 =	simm.s32 $0x2200;
	[sflag:s16] =	ssyncadd.s32 $0xFFFFF000  }
0x30: {  	[spmem:s2] =	stream.indirect.scatter.add.f32 [tilespmem:s14], [sflag:$0x3], $0x20, s29, s13, $0xb8;
	[tilespmem:$0x1F400] =	vst v63  }
0x31: {  	_ =	swait.ge [sflag:s11], $0x1000  }
0x32: {  	[sflag:s11] =	ssyncset.done $0x0  }
0x33: {  	s30 =	simm.s32 $0x100;
	[sflag:s11] =	ssyncadd.s32 $0xFFFFF000  }
0x34: {  	[tilespmem:s14], [sflag:$0x1] =	stream.indirect.gather [hbm4b:s4+s13], $0x20, s30, s13, $0xb8;
	[tilespmem:$0x1F400] =	vst v63  }
0x35: {  	_ =	swait.ge [sflag:s17], $0x1000  }
0x36: {  	[sflag:s17] =	ssyncset.done $0x0  }
0x37: {  	s31 =	simm.s32 $0x2280;
	[sflag:s17] =	ssyncadd.s32 $0xFFFFF000  }
0x38: {  	[spmem:s2] =	stream.indirect.scatter.add.f32 [tilespmem:s15], [sflag:$0x3], $0x20, s31, s13, $0xb8;
	[tilespmem:$0x1F400] =	vst v63  }
0x39: {  	_ =	swait.ge [sflag:s11], $0x1000  }
0x3a: {  	[sflag:s11] =	ssyncset.done $0x0  }
0x3b: {  	s22 =	simm.s32 $0x180;
	s21 =	simm.s32 $0x400;
	[sflag:s11] =	ssyncadd.s32 $0xFFFFF000  }
.LBB2_6:
0x3c: {  	[tilespmem:s15], [sflag:$0x2] =	stream.indirect.gather [hbm4b:s4+s13], $0x20, s22, s13, $0xb8;
	[tilespmem:$0x1F400] =	vst v63  }
0x3d: {  	s22 =	smov.u32 s21  }
0x3e: {  	p0 =	sne.s32 s21, $0x8000;
	s21 =	sadd.s32 $0x400, s21;
	_ =	swait.ge [sflag:s16], $0x1000  }
0x3f: {  	s22 =	sshra.s32 s22, $0x2;
	[sflag:s16] =	ssyncset.done $0x0  }
0x40: {  	s23 =	sadd.s32 $0x2200, s22;
	[sflag:s16] =	ssyncadd.s32 $0xFFFFF000  }
0x41: {  	[spmem:s2] =	stream.indirect.scatter.add.f32 [tilespmem:s14], [sflag:$0x3], $0x20, s23, s13, $0xb8;
	[tilespmem:$0x1F400] =	vst v63  }
0x42: {  	_ =	swait.ge [sflag:s11], $0x1000  }
0x43: {  	[sflag:s11] =	ssyncset.done $0x0  }
0x44: {  	s23 =	sadd.s32 $0x100, s22;
	[sflag:s11] =	ssyncadd.s32 $0xFFFFF000  }
0x45: {  	[tilespmem:s14], [sflag:$0x1] =	stream.indirect.gather [hbm4b:s4+s13], $0x20, s23, s13, $0xb8;
	[tilespmem:$0x1F400] =	vst v63  }
0x46: {  	_ =	swait.ge [sflag:s17], $0x1000  }
0x47: {  	[sflag:s17] =	ssyncset.done $0x0  }
.Ltmp2:
0x48: {  	s23 =	sadd.s32 $0x2280, s22;
	[sflag:s17] =	ssyncadd.s32 $0xFFFFF000;
	(pc) =	sbr.rel @p0 .LBB2_6-.Ltmp2, $4  }
0x49: {  	[spmem:s2] =	stream.indirect.scatter.add.f32 [tilespmem:s15], [sflag:$0x3], $0x20, s23, s13, $0xb8;
	[tilespmem:$0x1F400] =	vst v63  }
0x4a: {  	_ =	swait.ge [sflag:s11], $0x1000  }
0x4b: {  	[sflag:s11] =	ssyncset.done $0x0  }
0x4c: {  	s22 =	sadd.s32 $0x180, s22;
	[sflag:s11] =	ssyncadd.s32 $0xFFFFF000  }
0x4d: {  	[tilespmem:s15], [sflag:$0x2] =	stream.indirect.gather [hbm4b:s4+s13], $0x20, s22, s13, $0xb8;
	[tilespmem:$0x1F400] =	vst v63  }
0x4e: {  	_ =	swait.ge [sflag:s16], $0x1000  }
0x4f: {  	[sflag:s16] =	ssyncset.done $0x0  }
0x50: {  	[sflag:s16] =	ssyncadd.s32 $0xFFFFF000  }
0x51: {  	[spmem:s2] =	stream.indirect.scatter.add.f32 [tilespmem:s14], [sflag:$0x3], $0x20, s18, s13, $0xb8;
	[tilespmem:$0x1F400] =	vst v63  }
0x52: {  	_ =	swait.ge [sflag:s11], $0x1000  }
0x53: {  	[sflag:s11] =	ssyncset.done $0x0  }
0x54: {  	[sflag:s11] =	ssyncadd.s32 $0xFFFFF000  }
0x55: {  	_ =	swait.ge [sflag:s17], $0x1000  }
0x56: {  	[sflag:s17] =	ssyncset.done $0x0  }
0x57: {  	[sflag:s17] =	ssyncadd.s32 $0xFFFFF000  }
0x58: {  	[spmem:s2] =	stream.indirect.scatter.add.f32 [tilespmem:s15], [sflag:$0x3], $0x20, s19, s13, $0xb8;
	[tilespmem:$0x1F400] =	vst v63  }
0x59: {  	_ =	swait.ge [sflag:s11], $0x1000  }
0x5a: {  	s3 =	sadd.s32 $0x1, s3;
	[sflag:s11] =	ssyncset.done $0x0  }
0x5b: {  	s21 =	sshll.u32 s1, $0x6;
	p0 =	sne.s32 s3, s9;
	[sflag:s11] =	ssyncadd.s32 $0xFFFFF000  }
.Ltmp3:
0x5c: {  	s21 =	sor.u32 $0x1C03, s21;
	[bflag:$0x0] =	sbarrier.arrive $0xFFFF;
	(pc) =	sbr.rel @p0 .LBB2_1-.Ltmp3, $4  }
0x5d: {  	[hbm:s8], [sflag:s21] =	dma.local [spmem:s20], $0x30E0  }
0x5e: {  	_ =	swait.ge [sflag:s11], $0x30E0  }
0x5f: {  	[sflag:s11] =	ssyncset.done $0x0  }
0x60: {  	[sflag:s11] =	ssyncadd.s32 $0xFFFFCF20  }
0x61: {  	_ =	sfence.sel $0x180000  }
0x62: {  	[bflag:$0x0] =	sbarrier.arrive $0xFFFF  }
0x63: {  	p0 =	sne.s32 s1, $0x0;
	_ =	strace $0x90000047  }
0x64: {  	s0 =	sadd.s32 @!p0 $0x100000, s0;
	[bflag:$0x2] =	sbarrier.arrive $0xFFFF  }
0x65: {  	[sflag:s0] =	ssyncadd.tile.s32 @!p0 $0x1;
	_ =	shalt  }
.Lfunc_end2:
_tile_overlayer_lowered:
.L_overlay_start_2:
0x66: {  	(tag) =	ssettag $0x2  }
0x67: {  	s0 =	rddreg [dreg:$0x0];
	s2 =	stileid.u32  }
0x68: {  	s1 =	rddreg [dreg:$0x1];
	p0 =	sne.s32 s2, $0x0  }
0x69: {  	s3 =	rddreg [dreg:$0x2];
	[bflag:$0x3] =	sbarrier.arrive $0xFFFF;
	s2 =	simm.s32 @!p0 $0x1C03  }
0x6a: {  	[timem:s3], [sflag:s2] =	dma.local @!p0 [hbm:s0], s1  }
0x6b: {  	s0 =	simm.s32 @!p0 $0x3  }
0x6c: {  	_ =	swait.ge @!p0 [sflag:s0], s1  }
0x6d: {  	s1 =	ssub.s32 @!p0 $0x0, s1;
	[sflag:s0] =	ssyncset.done @!p0 $0x0  }
0x6e: {  	[sflag:s0] =	ssyncadd.s32 @!p0 s1  }
0x6f: {  	[bflag:$0x3] =	sbarrier.arrive $0xFFFF  }
0x70: {  	_ =	shalt  }

</sc_bundles>
